<compile_context>
chip_gen: v7x
topology: tpu7x:2x2x1
jax: 0.10.2.dev20260603
libtpu: 0.0.44.dev20260713+nightly
codegen_flags: <defaults>
</compile_context>

<pallas_src>
import functools

import jax
import jax.numpy as jnp
from jax import lax
from jax.experimental import pallas as pl
from jax.experimental.pallas import tpu as pltpu
from jax.experimental.pallas import tpu_sc as plsc

_B, _H, _W = 16, 512, 512
_K = 128
_RB = 512
_FP = 64.0

_NW = 32
_HROWS = _B * _H // _NW
_CR = 32
_NCHUNK = _HROWS // _CR


def _sc_gather_body(tbl_h, inst_h, gp_h, tb_v, in_b, out_b,
                    sem_i, sem_o):
    c = lax.axis_index("c")
    s = lax.axis_index("s")
    wid = s * 2 + c
    b = wid // 2
    pltpu.sync_copy(tbl_h.at[pl.ds(b * _K, _K)], tb_v)
    row0 = wid * _HROWS

    def in_copy(ci, par):
        return pltpu.make_async_copy(
            inst_h.at[pl.ds(row0 + ci * _CR, _CR)],
            in_b.at[pl.ds(par * _CR, _CR)], sem_i.at[par])

    def out_copy(ci, par):
        return pltpu.make_async_copy(
            out_b.at[pl.ds(par * _CR, _CR)],
            gp_h.at[pl.ds(row0 + ci * _CR, _CR)], sem_o.at[par])

    in_copy(0, 0).start()

    def chunk_body(ci, carry):
        par = lax.rem(ci, 2)
        nxt = 1 - par
        in_copy(ci, par).wait()

        @pl.when(ci + 1 < _NCHUNK)
        def _():
            in_copy(ci + 1, nxt).start()

        @pl.when(ci >= 2)
        def _():
            out_copy(ci - 2, par).wait()

        @plsc.parallel_loop(0, _CR, unroll=2)
        def row_body(r):
            rr = par * _CR + r
            for g in range(_W // 16):
                cc = g * 16
                idx = in_b[rr, pl.ds(cc, 16)]
                out_b[rr, pl.ds(cc, 16)] = plsc.load_gather(tb_v, [idx])

        out_copy(ci, par).start()
        return carry

    lax.fori_loop(0, _NCHUNK, chunk_body, 0)
    out_copy(_NCHUNK - 2, 0).wait()
    out_copy(_NCHUNK - 1, 1).wait()


def _sc_gather(tbl, inst):
    mesh = plsc.VectorSubcoreMesh(core_axis_name="c", subcore_axis_name="s")
    f = pl.kernel(
        _sc_gather_body,
        out_type=jax.ShapeDtypeStruct((_B * _H, _W), jnp.int32),
        mesh=mesh,
        compiler_params=pltpu.CompilerParams(needs_layout_passes=False),
        scratch_types=(
            pltpu.VMEM((_K,), jnp.int32),
            pltpu.VMEM((2 * _CR, _W), jnp.int32),
            pltpu.VMEM((2 * _CR, _W), jnp.int32),
            pltpu.SemaphoreType.DMA((2,)),
            pltpu.SemaphoreType.DMA((2,)),
        ),
    )
    return f(tbl, inst)


def _fast_atan2(y, x):
    ax = jnp.abs(x)
    ay = jnp.abs(y)
    mx = jnp.maximum(ax, ay)
    t = jnp.minimum(ax, ay) / jnp.maximum(mx, 1e-30)
    s = t * t
    p = t * (0.99921406 + s * (-0.32117747 + s * (0.14627053 + s * (-0.03899059))))
    p = jnp.where(ay > ax, 1.5707963267948966 - p, p)
    p = jnp.where(x < 0.0, 3.141592653589793 - p, p)
    return jnp.where(y < 0.0, -p, p)


def _tc_body(gp_ref, out_ref):
    j = pl.program_id(1)
    w = gp_ref[0]
    mask = w >= 0
    mf = mask.astype(jnp.float32)
    cy = jnp.where(mask, (w >> 16).astype(jnp.float32) * (1.0 / _FP),
                   -10000.0)
    cx = jnp.where(mask, (w & 0xFFFF).astype(jnp.float32) * (1.0 / _FP),
                   -10000.0)
    row = (j * _RB + lax.broadcasted_iota(jnp.int32, (_RB, _W), 0)
           ).astype(jnp.float32)
    col = lax.broadcasted_iota(jnp.int32, (_RB, _W), 1).astype(jnp.float32)
    x = cx - row
    y = cy - col
    cmask = 1.0 - ((jnp.abs(x) < 3.0) & (jnp.abs(y) < 3.0)).astype(jnp.float32)
    r2 = x * x + y * y
    inv = lax.rsqrt(jnp.maximum(r2, 1e-12))
    minv = mf * inv
    out_ref[0, 0] = r2 * minv
    out_ref[0, 1] = _fast_atan2(y, x)
    out_ref[0, 2] = y * minv
    out_ref[0, 3] = x * minv
    out_ref[0, 4] = cmask


@functools.partial(jax.jit, static_argnames=())
def kernel(instances, centers, batch_index):
    del batch_index
    inst = instances.reshape(_B * _H, _W)
    yq = jnp.round(centers[:, :, 0] * _FP).astype(jnp.int32)
    xq = jnp.round(centers[:, :, 1] * _FP).astype(jnp.int32)
    packed = (yq << 16) | xq
    neg = jnp.full((_B, 1), -1, jnp.int32)
    pad = jnp.full((_B, _K - 101), -1, jnp.int32)
    tbl = jnp.concatenate([neg, packed, pad], axis=1).reshape(-1)

    gp = _sc_gather(tbl, inst).reshape(_B, _H, _W)

    out = pl.pallas_call(
        _tc_body,
        grid=(_B, _H // _RB),
        in_specs=[
            pl.BlockSpec((1, _RB, _W), lambda b, j: (b, j, 0)),
        ],
        out_specs=pl.BlockSpec((1, 5, _RB, _W), lambda b, j: (b, 0, j, 0)),
        out_shape=jax.ShapeDtypeStruct((_B, 5, _H, _W), jnp.float32),
    )(gp)
    return out

# --- scband reference (transcript-rebuilt; emitter-appended) ---
"""Pipeline reference for scband-center-dir-groundtruth-67602785239349 (READ-ONLY COPY).

The authoritative reference and input builder live on the scoring server;
editing this copy changes nothing except your own understanding.
"""

import jax, jax.numpy as jnp
import numpy as np

MAX_NUM_CENTERS = 100
CENTER_IGNORE_PX = 3


def _create_xym(size):
    lin = jnp.linspace(0.0, 1.0, size + 1) * size
    xm = jnp.broadcast_to(lin.reshape(1, 1, -1), (1, size + 1, size + 1))
    ym = jnp.broadcast_to(lin.reshape(1, -1, 1), (1, size + 1, size + 1))
    return jnp.concatenate([xm, ym], axis=0)


def setup_inputs(seed: int = 0):
    key = jax.random.key(seed)
    k1, k2 = jax.random.split(key)
    B, H, W = 16, 512, 512
    instances = jax.random.randint(k1, (B, 1, H, W), 0, MAX_NUM_CENTERS, dtype=jnp.int32)
    centers = jax.random.uniform(k2, (B, MAX_NUM_CENTERS, 2), dtype=jnp.float32) * float(H - 1)
    batch_index = jnp.arange(B, dtype=jnp.int32)
    return {"instances": instances, "centers": centers, "batch_index": batch_index}


def _centerdir_gt(instances, centers):
    B = instances.shape[0]
    H, W = instances.shape[2], instances.shape[3]
    inst = instances[:, 0]
    xym = _create_xym(max(H, W))[:, :H, :W]
    instance_mask = inst > 0
    mf = instance_mask.astype(jnp.float32)
    # gather per-pixel assigned center: centers[b, id-1] (scatter/gather memory op)
    idx = jnp.clip(inst - 1, 0, MAX_NUM_CENTERS - 1).reshape(B, H * W, 1)
    gathered = jnp.take_along_axis(centers, jnp.broadcast_to(idx, (B, H * W, 2)), axis=1).reshape(B, H, W, 2)
    # torch: gt_center_x <- center[1], gt_center_y <- center[0]; background stays -10000
    gt_center_y = jnp.where(instance_mask, gathered[..., 0], -10000.0)
    gt_center_x = jnp.where(instance_mask, gathered[..., 1], -10000.0)
    gt_X = gt_center_x - xym[1][None]
    gt_Y = gt_center_y - xym[0][None]
    gt_center_mask = (~((jnp.abs(gt_X) < CENTER_IGNORE_PX) & (jnp.abs(gt_Y) < CENTER_IGNORE_PX))).astype(jnp.float32)
    r2 = gt_X ** 2 + gt_Y ** 2
    gt_R = jnp.sqrt(jnp.maximum(r2, 1e-12)) * mf
    gt_theta = jnp.arctan2(gt_Y, gt_X)
    gt_sin = jnp.sin(gt_theta) * mf
    gt_cos = jnp.cos(gt_theta) * mf
    M = jnp.sqrt(jnp.where(instance_mask, gt_sin ** 2 + gt_cos ** 2, 1.0))
    gt_sin = jnp.where(instance_mask, gt_sin / M, gt_sin)
    gt_cos = jnp.where(instance_mask, gt_cos / M, gt_cos)
    return jnp.stack([gt_R, gt_theta, gt_sin, gt_cos, gt_center_mask], axis=1)


def reference(instances, centers, batch_index):
    # centerdir_gt matrix channels: [R, theta, sin(theta), cos(theta), center_mask]
    return _centerdir_gt(instances, centers)

if __name__ == "__main__":
    import jax
    _d = setup_inputs()
    print(jax.jit(kernel)(*tuple(_d.values())))

</pallas_src>

<mosaic_0001>
#map = affine_map<(d0, d1) -> (0)>
#map1 = affine_map<(d0, d1) -> (0, 0)>
module attributes {stable_mosaic.version = 14 : i64} {
  func.func @_sc_gather_body(%arg0: i32, %arg1: i32, %arg2: memref<2048xi32, #tpu.memory_space<hbm>>, %arg3: memref<8192x512xi32, #tpu.memory_space<hbm>>, %arg4: memref<8192x512xi32, #tpu.memory_space<hbm>>, %arg5: memref<128xi32, #tpu.memory_space<vmem>>, %arg6: memref<64x512xi32, #tpu.memory_space<vmem>>, %arg7: memref<64x512xi32, #tpu.memory_space<vmem>>, %arg8: memref<2x!tpu.dma_semaphore, #tpu.memory_space<semaphore_mem>>, %arg9: memref<2x!tpu.dma_semaphore, #tpu.memory_space<semaphore_mem>>) attributes {dimension_semantics = [#tpu.dimension_semantics<core_parallel>, #tpu.dimension_semantics<subcore_parallel>], iteration_bounds = array<i64: 2, 16>, scalar_prefetch = 0 : i64, scratch_operands = 5 : i64, tpu.core_type = #tpu.core_type<sc_vector_subcore>, window_params = [{transform_indices = #map}, {transform_indices = #map1}, {transform_indices = #map1}]} {
    %mul3A = arith.constant 2 : i32
    %mul3A_0 = arith.muli %arg1, %mul3A : i32
    %add3A = arith.addi %mul3A_0, %arg0 : i32
    %jit3A = arith.constant 2 : i32
    %div3A = arith.divsi %add3A, %jit3A : i32
    %sign3A = arith.constant 0 : i32
    %sign3A_1 = arith.cmpi sgt, %add3A, %sign3A : i32
    %sign3A_2 = arith.extui %sign3A_1 : i1 to i32
    %sign3A_3 = arith.constant 0 : i32
    %sign3A_4 = arith.cmpi slt, %add3A, %sign3A_3 : i32
    %sign3A_5 = arith.extui %sign3A_4 : i1 to i32
    %sign3A_6 = arith.subi %sign3A_2, %sign3A_5 : i32
    %sign3A_7 = arith.constant 0 : i32
    %sign3A_8 = arith.cmpi sgt, %jit3A, %sign3A_7 : i32
    %sign3A_9 = arith.extui %sign3A_8 : i1 to i32
    %sign3A_10 = arith.constant 0 : i32
    %sign3A_11 = arith.cmpi slt, %jit3A, %sign3A_10 : i32
    %sign3A_12 = arith.extui %sign3A_11 : i1 to i32
    %sign3A_13 = arith.subi %sign3A_9, %sign3A_12 : i32
    %ne3A = arith.cmpi ne, %sign3A_6, %sign3A_13 : i32
    %rem3A = arith.remsi %add3A, %jit3A : i32
    %ne3A_14 = arith.constant 0 : i32
    %ne3A_15 = arith.cmpi ne, %rem3A, %ne3A_14 : i32
    %and3A = arith.andi %ne3A, %ne3A_15 : i1
    %sub3A = arith.constant 1 : i32
    %sub3A_16 = arith.subi %div3A, %sub3A : i32
    %select_n3A = arith.select %and3A, %sub3A_16, %div3A : i32
    %mul3A_17 = arith.constant 128 : i32
    %mul3A_18 = arith.muli %select_n3A, %mul3A_17 : i32
    "tpu.region"() ({
      %run_scoped3A = tpu.sem_alloc : memref<!tpu.dma_semaphore, #tpu.memory_space<semaphore_mem>>
      %dma_start3A_69 = tpu.memref_slice %arg2[%mul3A_18] : memref<2048xi32, #tpu.memory_space<hbm>> -> memref<128xi32, #tpu.memory_space<hbm>>
      %dma_start3A_70 = tpu.memref_slice %arg2[%mul3A_18] : memref<2048xi32, #tpu.memory_space<hbm>> -> memref<128xi32, #tpu.memory_space<hbm>>
      tpu.enqueue_dma source(%dma_start3A_70 : memref<128xi32, #tpu.memory_space<hbm>>) target(%arg5 : memref<128xi32, #tpu.memory_space<vmem>>) target_semaphore(%run_scoped3A : memref<!tpu.dma_semaphore, #tpu.memory_space<semaphore_mem>>)
      %dma_wait3A_71 = tpu.memref_slice %arg2[%mul3A_18] : memref<2048xi32, #tpu.memory_space<hbm>> -> memref<128xi32, #tpu.memory_space<hbm>>
      %dma_wait3A_72 = tpu.memref_slice %arg2[%mul3A_18] : memref<2048xi32, #tpu.memory_space<hbm>> -> memref<128xi32, #tpu.memory_space<hbm>>
      tpu.wait_dma2 semaphore(%run_scoped3A : memref<!tpu.dma_semaphore, #tpu.memory_space<semaphore_mem>>) src(%dma_wait3A_72 : memref<128xi32, #tpu.memory_space<hbm>>) dst(%arg5 : memref<128xi32, #tpu.memory_space<vmem>>)
      tpu.yield
    }) : () -> ()
    %mul3A_19 = arith.constant 256 : i32
    %mul3A_20 = arith.muli %add3A, %mul3A_19 : i32
    %add3A_21 = arith.constant 0 : i32
    %add3A_22 = arith.addi %mul3A_20, %add3A_21 : i32
    %dma_start3A = arith.constant 0 : i32
    %dma_start3A_23 = arith.constant 0 : i32
    %dma_start3A_24 = arith.constant 0 : i32
    %dma_start3A_25 = tpu.memref_slice %arg6[%dma_start3A_23, %dma_start3A_24] : memref<64x512xi32, #tpu.memory_space<vmem>> -> memref<32x512xi32, #tpu.memory_space<vmem>>
    %dma_start3A_26 = arith.constant 0 : i32
    %dma_start3A_27 = tpu.memref_slice %arg3[%add3A_22, %dma_start3A_26] : memref<8192x512xi32, #tpu.memory_space<hbm>> -> memref<32x512xi32, #tpu.memory_space<hbm>>
    %dma_start3A_28 = tpu.memref_slice %arg8[%dma_start3A] : memref<2x!tpu.dma_semaphore, #tpu.memory_space<semaphore_mem>> -> memref<1x!tpu.dma_semaphore, #tpu.memory_space<semaphore_mem>>
    %dma_start3A_29 = tpu.memref_squeeze %dma_start3A_28 : memref<1x!tpu.dma_semaphore, #tpu.memory_space<semaphore_mem>> -> memref<!tpu.dma_semaphore, #tpu.memory_space<semaphore_mem>>
    %dma_start3A_30 = arith.constant 0 : i32
    %dma_start3A_31 = arith.constant 0 : i32
    %dma_start3A_32 = tpu.memref_slice %arg6[%dma_start3A_30, %dma_start3A_31] : memref<64x512xi32, #tpu.memory_space<vmem>> -> memref<32x512xi32, #tpu.memory_space<vmem>>
    %dma_start3A_33 = arith.constant 0 : i32
    %dma_start3A_34 = tpu.memref_slice %arg3[%add3A_22, %dma_start3A_33] : memref<8192x512xi32, #tpu.memory_space<hbm>> -> memref<32x512xi32, #tpu.memory_space<hbm>>
    tpu.enqueue_dma source(%dma_start3A_34 : memref<32x512xi32, #tpu.memory_space<hbm>>) target(%dma_start3A_32 : memref<32x512xi32, #tpu.memory_space<vmem>>) target_semaphore(%dma_start3A_29 : memref<!tpu.dma_semaphore, #tpu.memory_space<semaphore_mem>>)
    %scan3A = arith.constant 0 : i32
    %scan3A_35 = arith.constant 0 : i32
    %scan3A_36 = arith.constant 8 : i32
    %scan3A_37 = arith.addi %scan3A_35, %scan3A_36 : i32
    %scan3A_38 = arith.constant 1 : i32
    scf.for %scan3A_69 = %scan3A_35 to %scan3A_37 step %scan3A_38  : i32 {
      %rem3A_70 = arith.constant 2 : i32
      %rem3A_71 = arith.remsi %scan3A_69, %rem3A_70 : i32
      %sub3A_72 = arith.constant 1 : i32
      %sub3A_73 = arith.subi %sub3A_72, %rem3A_71 : i32
      %mul3A_74 = arith.constant 32 : i32
      %mul3A_75 = arith.muli %scan3A_69, %mul3A_74 : i32
      %add3A_76 = arith.addi %mul3A_20, %mul3A_75 : i32
      %mul3A_77 = arith.constant 32 : i32
      %mul3A_78 = arith.muli %rem3A_71, %mul3A_77 : i32
      %dma_wait3A_79 = arith.constant 0 : i32
      %dma_wait3A_80 = tpu.memref_slice %arg6[%mul3A_78, %dma_wait3A_79] : memref<64x512xi32, #tpu.memory_space<vmem>> -> memref<32x512xi32, #tpu.memory_space<vmem>>
      %dma_wait3A_81 = arith.constant 0 : i32
      %dma_wait3A_82 = tpu.memref_slice %arg3[%add3A_76, %dma_wait3A_81] : memref<8192x512xi32, #tpu.memory_space<hbm>> -> memref<32x512xi32, #tpu.memory_space<hbm>>
      %dma_wait3A_83 = tpu.memref_slice %arg8[%rem3A_71] : memref<2x!tpu.dma_semaphore, #tpu.memory_space<semaphore_mem>> -> memref<1x!tpu.dma_semaphore, #tpu.memory_space<semaphore_mem>>
      %dma_wait3A_84 = tpu.memref_squeeze %dma_wait3A_83 : memref<1x!tpu.dma_semaphore, #tpu.memory_space<semaphore_mem>> -> memref<!tpu.dma_semaphore, #tpu.memory_space<semaphore_mem>>
      %dma_wait3A_85 = arith.constant 0 : i32
      %dma_wait3A_86 = tpu.memref_slice %arg6[%mul3A_78, %dma_wait3A_85] : memref<64x512xi32, #tpu.memory_space<vmem>> -> memref<32x512xi32, #tpu.memory_space<vmem>>
      %dma_wait3A_87 = arith.constant 0 : i32
      %dma_wait3A_88 = tpu.memref_slice %arg3[%add3A_76, %dma_wait3A_87] : memref<8192x512xi32, #tpu.memory_space<hbm>> -> memref<32x512xi32, #tpu.memory_space<hbm>>
      tpu.wait_dma2 semaphore(%dma_wait3A_84 : memref<!tpu.dma_semaphore, #tpu.memory_space<semaphore_mem>>) src(%dma_wait3A_88 : memref<32x512xi32, #tpu.memory_space<hbm>>) dst(%dma_wait3A_86 : memref<32x512xi32, #tpu.memory_space<vmem>>)
      %add3A_89 = arith.constant 1 : i32
      %add3A_90 = arith.addi %scan3A_69, %add3A_89 : i32
      %lt3A = arith.constant 8 : i32
      %lt3A_91 = arith.cmpi slt, %add3A_90, %lt3A : i32
      %convert_element_type3A = arith.extui %lt3A_91 : i1 to i32
      %cond3A = arith.constant 0 : i32
      %cond3A_92 = arith.cmpi ne, %convert_element_type3A, %cond3A : i32
      scf.if %cond3A_92 {
        %add3A_114 = arith.constant 1 : i32
        %add3A_115 = arith.addi %scan3A_69, %add3A_114 : i32
        %mul3A_116 = arith.constant 32 : i32
        %mul3A_117 = arith.muli %add3A_115, %mul3A_116 : i32
        %add3A_118 = arith.addi %mul3A_20, %mul3A_117 : i32
        %mul3A_119 = arith.constant 32 : i32
        %mul3A_120 = arith.muli %sub3A_73, %mul3A_119 : i32
        %dma_start3A_121 = arith.constant 0 : i32
        %dma_start3A_122 = tpu.memref_slice %arg6[%mul3A_120, %dma_start3A_121] : memref<64x512xi32, #tpu.memory_space<vmem>> -> memref<32x512xi32, #tpu.memory_space<vmem>>
        %dma_start3A_123 = arith.constant 0 : i32
        %dma_start3A_124 = tpu.memref_slice %arg3[%add3A_118, %dma_start3A_123] : memref<8192x512xi32, #tpu.memory_space<hbm>> -> memref<32x512xi32, #tpu.memory_space<hbm>>
        %dma_start3A_125 = tpu.memref_slice %arg8[%sub3A_73] : memref<2x!tpu.dma_semaphore, #tpu.memory_space<semaphore_mem>> -> memref<1x!tpu.dma_semaphore, #tpu.memory_space<semaphore_mem>>
        %dma_start3A_126 = tpu.memref_squeeze %dma_start3A_125 : memref<1x!tpu.dma_semaphore, #tpu.memory_space<semaphore_mem>> -> memref<!tpu.dma_semaphore, #tpu.memory_space<semaphore_mem>>
        %dma_start3A_127 = arith.constant 0 : i32
        %dma_start3A_128 = tpu.memref_slice %arg6[%mul3A_120, %dma_start3A_127] : memref<64x512xi32, #tpu.memory_space<vmem>> -> memref<32x512xi32, #tpu.memory_space<vmem>>
        %dma_start3A_129 = arith.constant 0 : i32
        %dma_start3A_130 = tpu.memref_slice %arg3[%add3A_118, %dma_start3A_129] : memref<8192x512xi32, #tpu.memory_space<hbm>> -> memref<32x512xi32, #tpu.memory_space<hbm>>
        tpu.enqueue_dma source(%dma_start3A_130 : memref<32x512xi32, #tpu.memory_space<hbm>>) target(%dma_start3A_128 : memref<32x512xi32, #tpu.memory_space<vmem>>) target_semaphore(%dma_start3A_126 : memref<!tpu.dma_semaphore, #tpu.memory_space<semaphore_mem>>)
      } else {
      }
      %ge3A = arith.constant 2 : i32
      %ge3A_93 = arith.cmpi sge, %scan3A_69, %ge3A : i32
      %convert_element_type3A_94 = arith.extui %ge3A_93 : i1 to i32
      %cond3A_95 = arith.constant 0 : i32
      %cond3A_96 = arith.cmpi ne, %convert_element_type3A_94, %cond3A_95 : i32
      scf.if %cond3A_96 {
        %sub3A_114 = arith.constant 2 : i32
        %sub3A_115 = arith.subi %scan3A_69, %sub3A_114 : i32
        %mul3A_116 = arith.constant 32 : i32
        %mul3A_117 = arith.muli %rem3A_71, %mul3A_116 : i32
        %mul3A_118 = arith.constant 32 : i32
        %mul3A_119 = arith.muli %sub3A_115, %mul3A_118 : i32
        %add3A_120 = arith.addi %mul3A_20, %mul3A_119 : i32
        %dma_wait3A_121 = arith.constant 0 : i32
        %dma_wait3A_122 = tpu.memref_slice %arg7[%mul3A_117, %dma_wait3A_121] : memref<64x512xi32, #tpu.memory_space<vmem>> -> memref<32x512xi32, #tpu.memory_space<vmem>>
        %dma_wait3A_123 = arith.constant 0 : i32
        %dma_wait3A_124 = tpu.memref_slice %arg4[%add3A_120, %dma_wait3A_123] : memref<8192x512xi32, #tpu.memory_space<hbm>> -> memref<32x512xi32, #tpu.memory_space<hbm>>
        %dma_wait3A_125 = tpu.memref_slice %arg9[%rem3A_71] : memref<2x!tpu.dma_semaphore, #tpu.memory_space<semaphore_mem>> -> memref<1x!tpu.dma_semaphore, #tpu.memory_space<semaphore_mem>>
        %dma_wait3A_126 = tpu.memref_squeeze %dma_wait3A_125 : memref<1x!tpu.dma_semaphore, #tpu.memory_space<semaphore_mem>> -> memref<!tpu.dma_semaphore, #tpu.memory_space<semaphore_mem>>
        %dma_wait3A_127 = arith.constant 0 : i32
        %dma_wait3A_128 = tpu.memref_slice %arg4[%add3A_120, %dma_wait3A_127] : memref<8192x512xi32, #tpu.memory_space<hbm>> -> memref<32x512xi32, #tpu.memory_space<hbm>>
        %dma_wait3A_129 = arith.constant 0 : i32
        %dma_wait3A_130 = tpu.memref_slice %arg7[%mul3A_117, %dma_wait3A_129] : memref<64x512xi32, #tpu.memory_space<vmem>> -> memref<32x512xi32, #tpu.memory_space<vmem>>
        tpu.wait_dma2 semaphore(%dma_wait3A_126 : memref<!tpu.dma_semaphore, #tpu.memory_space<semaphore_mem>>) src(%dma_wait3A_130 : memref<32x512xi32, #tpu.memory_space<vmem>>) dst(%dma_wait3A_128 : memref<32x512xi32, #tpu.memory_space<hbm>>)
      } else {
      }
      %parallel_loop3A = arith.constant 0 : i32
      %parallel_loop3A_97 = arith.constant 32 : i32
      %parallel_loop3A_98 = arith.constant 1 : i32
      scf.for %parallel_loop3A_114 = %parallel_loop3A to %parallel_loop3A_97 step %parallel_loop3A_98  : i32 {
        %parallel_loop3A_115 = arith.constant 32 : i32
        %parallel_loop3A_116 = arith.muli %rem3A_71, %parallel_loop3A_115 : i32
        %parallel_loop3A_117 = arith.addi %parallel_loop3A_116, %parallel_loop3A_114 : i32
        %parallel_loop3A_118 = arith.index_cast %parallel_loop3A_117 : i32 to index
        %parallel_loop3A_119 = arith.constant 0 : index
        %parallel_loop3A_120 = tpu.vector_load %arg6[%parallel_loop3A_118, %parallel_loop3A_119] {strides = array<i32>} : memref<64x512xi32, #tpu.memory_space<vmem>>, vector<16xi32>,
        %parallel_loop3A_121 = tpu.vector_load_idx %arg5[%parallel_loop3A_120] : memref<128xi32, #tpu.memory_space<vmem>>[vector<16xi32>], vector<16xi32>,
        %parallel_loop3A_122 = arith.index_cast %parallel_loop3A_117 : i32 to index
        %parallel_loop3A_123 = arith.constant 0 : index
        %parallel_loop3A_124 = tpu.vector_load %arg7[%parallel_loop3A_122, %parallel_loop3A_123] {strides = array<i32>} : memref<64x512xi32, #tpu.memory_space<vmem>>, vector<16xi32>,
        tpu.vector_store %arg7[%parallel_loop3A_122, %parallel_loop3A_123], %parallel_loop3A_121 {strides = array<i32>} : memref<64x512xi32, #tpu.memory_space<vmem>>, vector<16xi32>,
        %parallel_loop3A_125 = arith.index_cast %parallel_loop3A_117 : i32 to index
        %parallel_loop3A_126 = arith.constant 16 : index
        %parallel_loop3A_127 = tpu.vector_load %arg6[%parallel_loop3A_125, %parallel_loop3A_126] {strides = array<i32>} : memref<64x512xi32, #tpu.memory_space<vmem>>, vector<16xi32>,
        %parallel_loop3A_128 = tpu.vector_load_idx %arg5[%parallel_loop3A_127] : memref<128xi32, #tpu.memory_space<vmem>>[vector<16xi32>], vector<16xi32>,
        %parallel_loop3A_129 = arith.index_cast %parallel_loop3A_117 : i32 to index
        %parallel_loop3A_130 = arith.constant 16 : index
        %parallel_loop3A_131 = tpu.vector_load %arg7[%parallel_loop3A_129, %parallel_loop3A_130] {strides = array<i32>} : memref<64x512xi32, #tpu.memory_space<vmem>>, vector<16xi32>,
        tpu.vector_store %arg7[%parallel_loop3A_129, %parallel_loop3A_130], %parallel_loop3A_128 {strides = array<i32>} : memref<64x512xi32, #tpu.memory_space<vmem>>, vector<16xi32>,
        %parallel_loop3A_132 = arith.index_cast %parallel_loop3A_117 : i32 to index
        %parallel_loop3A_133 = arith.constant 32 : index
        %parallel_loop3A_134 = tpu.vector_load %arg6[%parallel_loop3A_132, %parallel_loop3A_133] {strides = array<i32>} : memref<64x512xi32, #tpu.memory_space<vmem>>, vector<16xi32>,
        %parallel_loop3A_135 = tpu.vector_load_idx %arg5[%parallel_loop3A_134] : memref<128xi32, #tpu.memory_space<vmem>>[vector<16xi32>], vector<16xi32>,
        %parallel_loop3A_136 = arith.index_cast %parallel_loop3A_117 : i32 to index
        %parallel_loop3A_137 = arith.constant 32 : index
        %parallel_loop3A_138 = tpu.vector_load %arg7[%parallel_loop3A_136, %parallel_loop3A_137] {strides = array<i32>} : memref<64x512xi32, #tpu.memory_space<vmem>>, vector<16xi32>,
        tpu.vector_store %arg7[%parallel_loop3A_136, %parallel_loop3A_137], %parallel_loop3A_135 {strides = array<i32>} : memref<64x512xi32, #tpu.memory_space<vmem>>, vector<16xi32>,
        %parallel_loop3A_139 = arith.index_cast %parallel_loop3A_117 : i32 to index
        %parallel_loop3A_140 = arith.constant 48 : index
        %parallel_loop3A_141 = tpu.vector_load %arg6[%parallel_loop3A_139, %parallel_loop3A_140] {strides = array<i32>} : memref<64x512xi32, #tpu.memory_space<vmem>>, vector<16xi32>,
        %parallel_loop3A_142 = tpu.vector_load_idx %arg5[%parallel_loop3A_141] : memref<128xi32, #tpu.memory_space<vmem>>[vector<16xi32>], vector<16xi32>,
        %parallel_loop3A_143 = arith.index_cast %parallel_loop3A_117 : i32 to index
        %parallel_loop3A_144 = arith.constant 48 : index
        %parallel_loop3A_145 = tpu.vector_load %arg7[%parallel_loop3A_143, %parallel_loop3A_144] {strides = array<i32>} : memref<64x512xi32, #tpu.memory_space<vmem>>, vector<16xi32>,
        tpu.vector_store %arg7[%parallel_loop3A_143, %parallel_loop3A_144], %parallel_loop3A_142 {strides = array<i32>} : memref<64x512xi32, #tpu.memory_space<vmem>>, vector<16xi32>,
        %parallel_loop3A_146 = arith.index_cast %parallel_loop3A_117 : i32 to index
        %parallel_loop3A_147 = arith.constant 64 : index
        %parallel_loop3A_148 = tpu.vector_load %arg6[%parallel_loop3A_146, %parallel_loop3A_147] {strides = array<i32>} : memref<64x512xi32, #tpu.memory_space<vmem>>, vector<16xi32>,
        %parallel_loop3A_149 = tpu.vector_load_idx %arg5[%parallel_loop3A_148] : memref<128xi32, #tpu.memory_space<vmem>>[vector<16xi32>], vector<16xi32>,
        %parallel_loop3A_150 = arith.index_cast %parallel_loop3A_117 : i32 to index
        %parallel_loop3A_151 = arith.constant 64 : index
        %parallel_loop3A_152 = tpu.vector_load %arg7[%parallel_loop3A_150, %parallel_loop3A_151] {strides = array<i32>} : memref<64x512xi32, #tpu.memory_space<vmem>>, vector<16xi32>,
        tpu.vector_store %arg7[%parallel_loop3A_150, %parallel_loop3A_151], %parallel_loop3A_149 {strides = array<i32>} : memref<64x512xi32, #tpu.memory_space<vmem>>, vector<16xi32>,
        %parallel_loop3A_153 = arith.index_cast %parallel_loop3A_117 : i32 to index
        %parallel_loop3A_154 = arith.constant 80 : index
        %parallel_loop3A_155 = tpu.vector_load %arg6[%parallel_loop3A_153, %parallel_loop3A_154] {strides = array<i32>} : memref<64x512xi32, #tpu.memory_space<vmem>>, vector<16xi32>,
        %parallel_loop3A_156 = tpu.vector_load_idx %arg5[%parallel_loop3A_155] : memref<128xi32, #tpu.memory_space<vmem>>[vector<16xi32>], vector<16xi32>,
        %parallel_loop3A_157 = arith.index_cast %parallel_loop3A_117 : i32 to index
        %parallel_loop3A_158 = arith.constant 80 : index
        %parallel_loop3A_159 = tpu.vector_load %arg7[%parallel_loop3A_157, %parallel_loop3A_158] {strides = array<i32>} : memref<64x512xi32, #tpu.memory_space<vmem>>, vector<16xi32>,
        tpu.vector_store %arg7[%parallel_loop3A_157, %parallel_loop3A_158], %parallel_loop3A_156 {strides = array<i32>} : memref<64x512xi32, #tpu.memory_space<vmem>>, vector<16xi32>,
        %parallel_loop3A_160 = arith.index_cast %parallel_loop3A_117 : i32 to index
        %parallel_loop3A_161 = arith.constant 96 : index
        %parallel_loop3A_162 = tpu.vector_load %arg6[%parallel_loop3A_160, %parallel_loop3A_161] {strides = array<i32>} : memref<64x512xi32, #tpu.memory_space<vmem>>, vector<16xi32>,
        %parallel_loop3A_163 = tpu.vector_load_idx %arg5[%parallel_loop3A_162] : memref<128xi32, #tpu.memory_space<vmem>>[vector<16xi32>], vector<16xi32>,
        %parallel_loop3A_164 = arith.index_cast %parallel_loop3A_117 : i32 to index
        %parallel_loop3A_165 = arith.constant 96 : index
        %parallel_loop3A_166 = tpu.vector_load %arg7[%parallel_loop3A_164, %parallel_loop3A_165] {strides = array<i32>} : memref<64x512xi32, #tpu.memory_space<vmem>>, vector<16xi32>,
        tpu.vector_store %arg7[%parallel_loop3A_164, %parallel_loop3A_165], %parallel_loop3A_163 {strides = array<i32>} : memref<64x512xi32, #tpu.memory_space<vmem>>, vector<16xi32>,
        %parallel_loop3A_167 = arith.index_cast %parallel_loop3A_117 : i32 to index
        %parallel_loop3A_168 = arith.constant 112 : index
        %parallel_loop3A_169 = tpu.vector_load %arg6[%parallel_loop3A_167, %parallel_loop3A_168] {strides = array<i32>} : memref<64x512xi32, #tpu.memory_space<vmem>>, vector<16xi32>,
        %parallel_loop3A_170 = tpu.vector_load_idx %arg5[%parallel_loop3A_169] : memref<128xi32, #tpu.memory_space<vmem>>[vector<16xi32>], vector<16xi32>,
        %parallel_loop3A_171 = arith.index_cast %parallel_loop3A_117 : i32 to index
        %parallel_loop3A_172 = arith.constant 112 : index
        %parallel_loop3A_173 = tpu.vector_load %arg7[%parallel_loop3A_171, %parallel_loop3A_172] {strides = array<i32>} : memref<64x512xi32, #tpu.memory_space<vmem>>, vector<16xi32>,
        tpu.vector_store %arg7[%parallel_loop3A_171, %parallel_loop3A_172], %parallel_loop3A_170 {strides = array<i32>} : memref<64x512xi32, #tpu.memory_space<vmem>>, vector<16xi32>,
        %parallel_loop3A_174 = arith.index_cast %parallel_loop3A_117 : i32 to index
        %parallel_loop3A_175 = arith.constant 128 : index
        %parallel_loop3A_176 = tpu.vector_load %arg6[%parallel_loop3A_174, %parallel_loop3A_175] {strides = array<i32>} : memref<64x512xi32, #tpu.memory_space<vmem>>, vector<16xi32>,
        %parallel_loop3A_177 = tpu.vector_load_idx %arg5[%parallel_loop3A_176] : memref<128xi32, #tpu.memory_space<vmem>>[vector<16xi32>], vector<16xi32>,
        %parallel_loop3A_178 = arith.index_cast %parallel_loop3A_117 : i32 to index
        %parallel_loop3A_179 = arith.constant 128 : index
        %parallel_loop3A_180 = tpu.vector_load %arg7[%parallel_loop3A_178, %parallel_loop3A_179] {strides = array<i32>} : memref<64x512xi32, #tpu.memory_space<vmem>>, vector<16xi32>,
        tpu.vector_store %arg7[%parallel_loop3A_178, %parallel_loop3A_179], %parallel_loop3A_177 {strides = array<i32>} : memref<64x512xi32, #tpu.memory_space<vmem>>, vector<16xi32>,
        %parallel_loop3A_181 = arith.index_cast %parallel_loop3A_117 : i32 to index
        %parallel_loop3A_182 = arith.constant 144 : index
        %parallel_loop3A_183 = tpu.vector_load %arg6[%parallel_loop3A_181, %parallel_loop3A_182] {strides = array<i32>} : memref<64x512xi32, #tpu.memory_space<vmem>>, vector<16xi32>,
        %parallel_loop3A_184 = tpu.vector_load_idx %arg5[%parallel_loop3A_183] : memref<128xi32, #tpu.memory_space<vmem>>[vector<16xi32>], vector<16xi32>,
        %parallel_loop3A_185 = arith.index_cast %parallel_loop3A_117 : i32 to index
        %parallel_loop3A_186 = arith.constant 144 : index
        %parallel_loop3A_187 = tpu.vector_load %arg7[%parallel_loop3A_185, %parallel_loop3A_186] {strides = array<i32>} : memref<64x512xi32, #tpu.memory_space<vmem>>, vector<16xi32>,
        tpu.vector_store %arg7[%parallel_loop3A_185, %parallel_loop3A_186], %parallel_loop3A_184 {strides = array<i32>} : memref<64x512xi32, #tpu.memory_space<vmem>>, vector<16xi32>,
        %parallel_loop3A_188 = arith.index_cast %parallel_loop3A_117 : i32 to index
        %parallel_loop3A_189 = arith.constant 160 : index
        %parallel_loop3A_190 = tpu.vector_load %arg6[%parallel_loop3A_188, %parallel_loop3A_189] {strides = array<i32>} : memref<64x512xi32, #tpu.memory_space<vmem>>, vector<16xi32>,
        %parallel_loop3A_191 = tpu.vector_load_idx %arg5[%parallel_loop3A_190] : memref<128xi32, #tpu.memory_space<vmem>>[vector<16xi32>], vector<16xi32>,
        %parallel_loop3A_192 = arith.index_cast %parallel_loop3A_117 : i32 to index
        %parallel_loop3A_193 = arith.constant 160 : index
        %parallel_loop3A_194 = tpu.vector_load %arg7[%parallel_loop3A_192, %parallel_loop3A_193] {strides = array<i32>} : memref<64x512xi32, #tpu.memory_space<vmem>>, vector<16xi32>,
        tpu.vector_store %arg7[%parallel_loop3A_192, %parallel_loop3A_193], %parallel_loop3A_191 {strides = array<i32>} : memref<64x512xi32, #tpu.memory_space<vmem>>, vector<16xi32>,
        %parallel_loop3A_195 = arith.index_cast %parallel_loop3A_117 : i32 to index
        %parallel_loop3A_196 = arith.constant 176 : index
        %parallel_loop3A_197 = tpu.vector_load %arg6[%parallel_loop3A_195, %parallel_loop3A_196] {strides = array<i32>} : memref<64x512xi32, #tpu.memory_space<vmem>>, vector<16xi32>,
        %parallel_loop3A_198 = tpu.vector_load_idx %arg5[%parallel_loop3A_197] : memref<128xi32, #tpu.memory_space<vmem>>[vector<16xi32>], vector<16xi32>,
        %parallel_loop3A_199 = arith.index_cast %parallel_loop3A_117 : i32 to index
        %parallel_loop3A_200 = arith.constant 176 : index
        %parallel_loop3A_201 = tpu.vector_load %arg7[%parallel_loop3A_199, %parallel_loop3A_200] {strides = array<i32>} : memref<64x512xi32, #tpu.memory_space<vmem>>, vector<16xi32>,
        tpu.vector_store %arg7[%parallel_loop3A_199, %parallel_loop3A_200], %parallel_loop3A_198 {strides = array<i32>} : memref<64x512xi32, #tpu.memory_space<vmem>>, vector<16xi32>,
        %parallel_loop3A_202 = arith.index_cast %parallel_loop3A_117 : i32 to index
        %parallel_loop3A_203 = arith.constant 192 : index
        %parallel_loop3A_204 = tpu.vector_load %arg6[%parallel_loop3A_202, %parallel_loop3A_203] {strides = array<i32>} : memref<64x512xi32, #tpu.memory_space<vmem>>, vector<16xi32>,
        %parallel_loop3A_205 = tpu.vector_load_idx %arg5[%parallel_loop3A_204] : memref<128xi32, #tpu.memory_space<vmem>>[vector<16xi32>], vector<16xi32>,
        %parallel_loop3A_206 = arith.index_cast %parallel_loop3A_117 : i32 to index
        %parallel_loop3A_207 = arith.constant 192 : index
        %parallel_loop3A_208 = tpu.vector_load %arg7[%parallel_loop3A_206, %parallel_loop3A_207] {strides = array<i32>} : memref<64x512xi32, #tpu.memory_space<vmem>>, vector<16xi32>,
        tpu.vector_store %arg7[%parallel_loop3A_206, %parallel_loop3A_207], %parallel_loop3A_205 {strides = array<i32>} : memref<64x512xi32, #tpu.memory_space<vmem>>, vector<16xi32>,
        %parallel_loop3A_209 = arith.index_cast %parallel_loop3A_117 : i32 to index
        %parallel_loop3A_210 = arith.constant 208 : index
        %parallel_loop3A_211 = tpu.vector_load %arg6[%parallel_loop3A_209, %parallel_loop3A_210] {strides = array<i32>} : memref<64x512xi32, #tpu.memory_space<vmem>>, vector<16xi32>,
        %parallel_loop3A_212 = tpu.vector_load_idx %arg5[%parallel_loop3A_211] : memref<128xi32, #tpu.memory_space<vmem>>[vector<16xi32>], vector<16xi32>,
        %parallel_loop3A_213 = arith.index_cast %parallel_loop3A_117 : i32 to index
        %parallel_loop3A_214 = arith.constant 208 : index
        %parallel_loop3A_215 = tpu.vector_load %arg7[%parallel_loop3A_213, %parallel_loop3A_214] {strides = array<i32>} : memref<64x512xi32, #tpu.memory_space<vmem>>, vector<16xi32>,
        tpu.vector_store %arg7[%parallel_loop3A_213, %parallel_loop3A_214], %parallel_loop3A_212 {strides = array<i32>} : memref<64x512xi32, #tpu.memory_space<vmem>>, vector<16xi32>,
        %parallel_loop3A_216 = arith.index_cast %parallel_loop3A_117 : i32 to index
        %parallel_loop3A_217 = arith.constant 224 : index
        %parallel_loop3A_218 = tpu.vector_load %arg6[%parallel_loop3A_216, %parallel_loop3A_217] {strides = array<i32>} : memref<64x512xi32, #tpu.memory_space<vmem>>, vector<16xi32>,
        %parallel_loop3A_219 = tpu.vector_load_idx %arg5[%parallel_loop3A_218] : memref<128xi32, #tpu.memory_space<vmem>>[vector<16xi32>], vector<16xi32>,
        %parallel_loop3A_220 = arith.index_cast %parallel_loop3A_117 : i32 to index
        %parallel_loop3A_221 = arith.constant 224 : index
        %parallel_loop3A_222 = tpu.vector_load %arg7[%parallel_loop3A_220, %parallel_loop3A_221] {strides = array<i32>} : memref<64x512xi32, #tpu.memory_space<vmem>>, vector<16xi32>,
        tpu.vector_store %arg7[%parallel_loop3A_220, %parallel_loop3A_221], %parallel_loop3A_219 {strides = array<i32>} : memref<64x512xi32, #tpu.memory_space<vmem>>, vector<16xi32>,
        %parallel_loop3A_223 = arith.index_cast %parallel_loop3A_117 : i32 to index
        %parallel_loop3A_224 = arith.constant 240 : index
        %parallel_loop3A_225 = tpu.vector_load %arg6[%parallel_loop3A_223, %parallel_loop3A_224] {strides = array<i32>} : memref<64x512xi32, #tpu.memory_space<vmem>>, vector<16xi32>,
        %parallel_loop3A_226 = tpu.vector_load_idx %arg5[%parallel_loop3A_225] : memref<128xi32, #tpu.memory_space<vmem>>[vector<16xi32>], vector<16xi32>,
        %parallel_loop3A_227 = arith.index_cast %parallel_loop3A_117 : i32 to index
        %parallel_loop3A_228 = arith.constant 240 : index
        %parallel_loop3A_229 = tpu.vector_load %arg7[%parallel_loop3A_227, %parallel_loop3A_228] {strides = array<i32>} : memref<64x512xi32, #tpu.memory_space<vmem>>, vector<16xi32>,
        tpu.vector_store %arg7[%parallel_loop3A_227, %parallel_loop3A_228], %parallel_loop3A_226 {strides = array<i32>} : memref<64x512xi32, #tpu.memory_space<vmem>>, vector<16xi32>,
        %parallel_loop3A_230 = arith.index_cast %parallel_loop3A_117 : i32 to index
        %parallel_loop3A_231 = arith.constant 256 : index
        %parallel_loop3A_232 = tpu.vector_load %arg6[%parallel_loop3A_230, %parallel_loop3A_231] {strides = array<i32>} : memref<64x512xi32, #tpu.memory_space<vmem>>, vector<16xi32>,
        %parallel_loop3A_233 = tpu.vector_load_idx %arg5[%parallel_loop3A_232] : memref<128xi32, #tpu.memory_space<vmem>>[vector<16xi32>], vector<16xi32>,
        %parallel_loop3A_234 = arith.index_cast %parallel_loop3A_117 : i32 to index
        %parallel_loop3A_235 = arith.constant 256 : index
        %parallel_loop3A_236 = tpu.vector_load %arg7[%parallel_loop3A_234, %parallel_loop3A_235] {strides = array<i32>} : memref<64x512xi32, #tpu.memory_space<vmem>>, vector<16xi32>,
        tpu.vector_store %arg7[%parallel_loop3A_234, %parallel_loop3A_235], %parallel_loop3A_233 {strides = array<i32>} : memref<64x512xi32, #tpu.memory_space<vmem>>, vector<16xi32>,
        %parallel_loop3A_237 = arith.index_cast %parallel_loop3A_117 : i32 to index
        %parallel_loop3A_238 = arith.constant 272 : index
        %parallel_loop3A_239 = tpu.vector_load %arg6[%parallel_loop3A_237, %parallel_loop3A_238] {strides = array<i32>} : memref<64x512xi32, #tpu.memory_space<vmem>>, vector<16xi32>,
        %parallel_loop3A_240 = tpu.vector_load_idx %arg5[%parallel_loop3A_239] : memref<128xi32, #tpu.memory_space<vmem>>[vector<16xi32>], vector<16xi32>,
        %parallel_loop3A_241 = arith.index_cast %parallel_loop3A_117 : i32 to index
        %parallel_loop3A_242 = arith.constant 272 : index
        %parallel_loop3A_243 = tpu.vector_load %arg7[%parallel_loop3A_241, %parallel_loop3A_242] {strides = array<i32>} : memref<64x512xi32, #tpu.memory_space<vmem>>, vector<16xi32>,
        tpu.vector_store %arg7[%parallel_loop3A_241, %parallel_loop3A_242], %parallel_loop3A_240 {strides = array<i32>} : memref<64x512xi32, #tpu.memory_space<vmem>>, vector<16xi32>,
        %parallel_loop3A_244 = arith.index_cast %parallel_loop3A_117 : i32 to index
        %parallel_loop3A_245 = arith.constant 288 : index
        %parallel_loop3A_246 = tpu.vector_load %arg6[%parallel_loop3A_244, %parallel_loop3A_245] {strides = array<i32>} : memref<64x512xi32, #tpu.memory_space<vmem>>, vector<16xi32>,
        %parallel_loop3A_247 = tpu.vector_load_idx %arg5[%parallel_loop3A_246] : memref<128xi32, #tpu.memory_space<vmem>>[vector<16xi32>], vector<16xi32>,
        %parallel_loop3A_248 = arith.index_cast %parallel_loop3A_117 : i32 to index
        %parallel_loop3A_249 = arith.constant 288 : index
        %parallel_loop3A_250 = tpu.vector_load %arg7[%parallel_loop3A_248, %parallel_loop3A_249] {strides = array<i32>} : memref<64x512xi32, #tpu.memory_space<vmem>>, vector<16xi32>,
        tpu.vector_store %arg7[%parallel_loop3A_248, %parallel_loop3A_249], %parallel_loop3A_247 {strides = array<i32>} : memref<64x512xi32, #tpu.memory_space<vmem>>, vector<16xi32>,
        %parallel_loop3A_251 = arith.index_cast %parallel_loop3A_117 : i32 to index
        %parallel_loop3A_252 = arith.constant 304 : index
        %parallel_loop3A_253 = tpu.vector_load %arg6[%parallel_loop3A_251, %parallel_loop3A_252] {strides = array<i32>} : memref<64x512xi32, #tpu.memory_space<vmem>>, vector<16xi32>,
        %parallel_loop3A_254 = tpu.vector_load_idx %arg5[%parallel_loop3A_253] : memref<128xi32, #tpu.memory_space<vmem>>[vector<16xi32>], vector<16xi32>,
        %parallel_loop3A_255 = arith.index_cast %parallel_loop3A_117 : i32 to index
        %parallel_loop3A_256 = arith.constant 304 : index
        %parallel_loop3A_257 = tpu.vector_load %arg7[%parallel_loop3A_255, %parallel_loop3A_256] {strides = array<i32>} : memref<64x512xi32, #tpu.memory_space<vmem>>, vector<16xi32>,
        tpu.vector_store %arg7[%parallel_loop3A_255, %parallel_loop3A_256], %parallel_loop3A_254 {strides = array<i32>} : memref<64x512xi32, #tpu.memory_space<vmem>>, vector<16xi32>,
        %parallel_loop3A_258 = arith.index_cast %parallel_loop3A_117 : i32 to index
        %parallel_loop3A_259 = arith.constant 320 : index
        %parallel_loop3A_260 = tpu.vector_load %arg6[%parallel_loop3A_258, %parallel_loop3A_259] {strides = array<i32>} : memref<64x512xi32, #tpu.memory_space<vmem>>, vector<16xi32>,
        %parallel_loop3A_261 = tpu.vector_load_idx %arg5[%parallel_loop3A_260] : memref<128xi32, #tpu.memory_space<vmem>>[vector<16xi32>], vector<16xi32>,
        %parallel_loop3A_262 = arith.index_cast %parallel_loop3A_117 : i32 to index
        %parallel_loop3A_263 = arith.constant 320 : index
        %parallel_loop3A_264 = tpu.vector_load %arg7[%parallel_loop3A_262, %parallel_loop3A_263] {strides = array<i32>} : memref<64x512xi32, #tpu.memory_space<vmem>>, vector<16xi32>,
        tpu.vector_store %arg7[%parallel_loop3A_262, %parallel_loop3A_263], %parallel_loop3A_261 {strides = array<i32>} : memref<64x512xi32, #tpu.memory_space<vmem>>, vector<16xi32>,
        %parallel_loop3A_265 = arith.index_cast %parallel_loop3A_117 : i32 to index
        %parallel_loop3A_266 = arith.constant 336 : index
        %parallel_loop3A_267 = tpu.vector_load %arg6[%parallel_loop3A_265, %parallel_loop3A_266] {strides = array<i32>} : memref<64x512xi32, #tpu.memory_space<vmem>>, vector<16xi32>,
        %parallel_loop3A_268 = tpu.vector_load_idx %arg5[%parallel_loop3A_267] : memref<128xi32, #tpu.memory_space<vmem>>[vector<16xi32>], vector<16xi32>,
        %parallel_loop3A_269 = arith.index_cast %parallel_loop3A_117 : i32 to index
        %parallel_loop3A_270 = arith.constant 336 : index
        %parallel_loop3A_271 = tpu.vector_load %arg7[%parallel_loop3A_269, %parallel_loop3A_270] {strides = array<i32>} : memref<64x512xi32, #tpu.memory_space<vmem>>, vector<16xi32>,
        tpu.vector_store %arg7[%parallel_loop3A_269, %parallel_loop3A_270], %parallel_loop3A_268 {strides = array<i32>} : memref<64x512xi32, #tpu.memory_space<vmem>>, vector<16xi32>,
        %parallel_loop3A_272 = arith.index_cast %parallel_loop3A_117 : i32 to index
        %parallel_loop3A_273 = arith.constant 352 : index
        %parallel_loop3A_274 = tpu.vector_load %arg6[%parallel_loop3A_272, %parallel_loop3A_273] {strides = array<i32>} : memref<64x512xi32, #tpu.memory_space<vmem>>, vector<16xi32>,
        %parallel_loop3A_275 = tpu.vector_load_idx %arg5[%parallel_loop3A_274] : memref<128xi32, #tpu.memory_space<vmem>>[vector<16xi32>], vector<16xi32>,
        %parallel_loop3A_276 = arith.index_cast %parallel_loop3A_117 : i32 to index
        %parallel_loop3A_277 = arith.constant 352 : index
        %parallel_loop3A_278 = tpu.vector_load %arg7[%parallel_loop3A_276, %parallel_loop3A_277] {strides = array<i32>} : memref<64x512xi32, #tpu.memory_space<vmem>>, vector<16xi32>,
        tpu.vector_store %arg7[%parallel_loop3A_276, %parallel_loop3A_277], %parallel_loop3A_275 {strides = array<i32>} : memref<64x512xi32, #tpu.memory_space<vmem>>, vector<16xi32>,
        %parallel_loop3A_279 = arith.index_cast %parallel_loop3A_117 : i32 to index
        %parallel_loop3A_280 = arith.constant 368 : index
        %parallel_loop3A_281 = tpu.vector_load %arg6[%parallel_loop3A_279, %parallel_loop3A_280] {strides = array<i32>} : memref<64x512xi32, #tpu.memory_space<vmem>>, vector<16xi32>,
        %parallel_loop3A_282 = tpu.vector_load_idx %arg5[%parallel_loop3A_281] : memref<128xi32, #tpu.memory_space<vmem>>[vector<16xi32>], vector<16xi32>,
        %parallel_loop3A_283 = arith.index_cast %parallel_loop3A_117 : i32 to index
        %parallel_loop3A_284 = arith.constant 368 : index
        %parallel_loop3A_285 = tpu.vector_load %arg7[%parallel_loop3A_283, %parallel_loop3A_284] {strides = array<i32>} : memref<64x512xi32, #tpu.memory_space<vmem>>, vector<16xi32>,
        tpu.vector_store %arg7[%parallel_loop3A_283, %parallel_loop3A_284], %parallel_loop3A_282 {strides = array<i32>} : memref<64x512xi32, #tpu.memory_space<vmem>>, vector<16xi32>,
        %parallel_loop3A_286 = arith.index_cast %parallel_loop3A_117 : i32 to index
        %parallel_loop3A_287 = arith.constant 384 : index
        %parallel_loop3A_288 = tpu.vector_load %arg6[%parallel_loop3A_286, %parallel_loop3A_287] {strides = array<i32>} : memref<64x512xi32, #tpu.memory_space<vmem>>, vector<16xi32>,
        %parallel_loop3A_289 = tpu.vector_load_idx %arg5[%parallel_loop3A_288] : memref<128xi32, #tpu.memory_space<vmem>>[vector<16xi32>], vector<16xi32>,
        %parallel_loop3A_290 = arith.index_cast %parallel_loop3A_117 : i32 to index
        %parallel_loop3A_291 = arith.constant 384 : index
        %parallel_loop3A_292 = tpu.vector_load %arg7[%parallel_loop3A_290, %parallel_loop3A_291] {strides = array<i32>} : memref<64x512xi32, #tpu.memory_space<vmem>>, vector<16xi32>,
        tpu.vector_store %arg7[%parallel_loop3A_290, %parallel_loop3A_291], %parallel_loop3A_289 {strides = array<i32>} : memref<64x512xi32, #tpu.memory_space<vmem>>, vector<16xi32>,
        %parallel_loop3A_293 = arith.index_cast %parallel_loop3A_117 : i32 to index
        %parallel_loop3A_294 = arith.constant 400 : index
        %parallel_loop3A_295 = tpu.vector_load %arg6[%parallel_loop3A_293, %parallel_loop3A_294] {strides = array<i32>} : memref<64x512xi32, #tpu.memory_space<vmem>>, vector<16xi32>,
        %parallel_loop3A_296 = tpu.vector_load_idx %arg5[%parallel_loop3A_295] : memref<128xi32, #tpu.memory_space<vmem>>[vector<16xi32>], vector<16xi32>,
        %parallel_loop3A_297 = arith.index_cast %parallel_loop3A_117 : i32 to index
        %parallel_loop3A_298 = arith.constant 400 : index
        %parallel_loop3A_299 = tpu.vector_load %arg7[%parallel_loop3A_297, %parallel_loop3A_298] {strides = array<i32>} : memref<64x512xi32, #tpu.memory_space<vmem>>, vector<16xi32>,
        tpu.vector_store %arg7[%parallel_loop3A_297, %parallel_loop3A_298], %parallel_loop3A_296 {strides = array<i32>} : memref<64x512xi32, #tpu.memory_space<vmem>>, vector<16xi32>,
        %parallel_loop3A_300 = arith.index_cast %parallel_loop3A_117 : i32 to index
        %parallel_loop3A_301 = arith.constant 416 : index
        %parallel_loop3A_302 = tpu.vector_load %arg6[%parallel_loop3A_300, %parallel_loop3A_301] {strides = array<i32>} : memref<64x512xi32, #tpu.memory_space<vmem>>, vector<16xi32>,
        %parallel_loop3A_303 = tpu.vector_load_idx %arg5[%parallel_loop3A_302] : memref<128xi32, #tpu.memory_space<vmem>>[vector<16xi32>], vector<16xi32>,
        %parallel_loop3A_304 = arith.index_cast %parallel_loop3A_117 : i32 to index
        %parallel_loop3A_305 = arith.constant 416 : index
        %parallel_loop3A_306 = tpu.vector_load %arg7[%parallel_loop3A_304, %parallel_loop3A_305] {strides = array<i32>} : memref<64x512xi32, #tpu.memory_space<vmem>>, vector<16xi32>,
        tpu.vector_store %arg7[%parallel_loop3A_304, %parallel_loop3A_305], %parallel_loop3A_303 {strides = array<i32>} : memref<64x512xi32, #tpu.memory_space<vmem>>, vector<16xi32>,
        %parallel_loop3A_307 = arith.index_cast %parallel_loop3A_117 : i32 to index
        %parallel_loop3A_308 = arith.constant 432 : index
        %parallel_loop3A_309 = tpu.vector_load %arg6[%parallel_loop3A_307, %parallel_loop3A_308] {strides = array<i32>} : memref<64x512xi32, #tpu.memory_space<vmem>>, vector<16xi32>,
        %parallel_loop3A_310 = tpu.vector_load_idx %arg5[%parallel_loop3A_309] : memref<128xi32, #tpu.memory_space<vmem>>[vector<16xi32>], vector<16xi32>,
        %parallel_loop3A_311 = arith.index_cast %parallel_loop3A_117 : i32 to index
        %parallel_loop3A_312 = arith.constant 432 : index
        %parallel_loop3A_313 = tpu.vector_load %arg7[%parallel_loop3A_311, %parallel_loop3A_312] {strides = array<i32>} : memref<64x512xi32, #tpu.memory_space<vmem>>, vector<16xi32>,
        tpu.vector_store %arg7[%parallel_loop3A_311, %parallel_loop3A_312], %parallel_loop3A_310 {strides = array<i32>} : memref<64x512xi32, #tpu.memory_space<vmem>>, vector<16xi32>,
        %parallel_loop3A_314 = arith.index_cast %parallel_loop3A_117 : i32 to index
        %parallel_loop3A_315 = arith.constant 448 : index
        %parallel_loop3A_316 = tpu.vector_load %arg6[%parallel_loop3A_314, %parallel_loop3A_315] {strides = array<i32>} : memref<64x512xi32, #tpu.memory_space<vmem>>, vector<16xi32>,
        %parallel_loop3A_317 = tpu.vector_load_idx %arg5[%parallel_loop3A_316] : memref<128xi32, #tpu.memory_space<vmem>>[vector<16xi32>], vector<16xi32>,
        %parallel_loop3A_318 = arith.index_cast %parallel_loop3A_117 : i32 to index
        %parallel_loop3A_319 = arith.constant 448 : index
        %parallel_loop3A_320 = tpu.vector_load %arg7[%parallel_loop3A_318, %parallel_loop3A_319] {strides = array<i32>} : memref<64x512xi32, #tpu.memory_space<vmem>>, vector<16xi32>,
        tpu.vector_store %arg7[%parallel_loop3A_318, %parallel_loop3A_319], %parallel_loop3A_317 {strides = array<i32>} : memref<64x512xi32, #tpu.memory_space<vmem>>, vector<16xi32>,
        %parallel_loop3A_321 = arith.index_cast %parallel_loop3A_117 : i32 to index
        %parallel_loop3A_322 = arith.constant 464 : index
        %parallel_loop3A_323 = tpu.vector_load %arg6[%parallel_loop3A_321, %parallel_loop3A_322] {strides = array<i32>} : memref<64x512xi32, #tpu.memory_space<vmem>>, vector<16xi32>,
        %parallel_loop3A_324 = tpu.vector_load_idx %arg5[%parallel_loop3A_323] : memref<128xi32, #tpu.memory_space<vmem>>[vector<16xi32>], vector<16xi32>,
        %parallel_loop3A_325 = arith.index_cast %parallel_loop3A_117 : i32 to index
        %parallel_loop3A_326 = arith.constant 464 : index
        %parallel_loop3A_327 = tpu.vector_load %arg7[%parallel_loop3A_325, %parallel_loop3A_326] {strides = array<i32>} : memref<64x512xi32, #tpu.memory_space<vmem>>, vector<16xi32>,
        tpu.vector_store %arg7[%parallel_loop3A_325, %parallel_loop3A_326], %parallel_loop3A_324 {strides = array<i32>} : memref<64x512xi32, #tpu.memory_space<vmem>>, vector<16xi32>,
        %parallel_loop3A_328 = arith.index_cast %parallel_loop3A_117 : i32 to index
        %parallel_loop3A_329 = arith.constant 480 : index
        %parallel_loop3A_330 = tpu.vector_load %arg6[%parallel_loop3A_328, %parallel_loop3A_329] {strides = array<i32>} : memref<64x512xi32, #tpu.memory_space<vmem>>, vector<16xi32>,
        %parallel_loop3A_331 = tpu.vector_load_idx %arg5[%parallel_loop3A_330] : memref<128xi32, #tpu.memory_space<vmem>>[vector<16xi32>], vector<16xi32>,
        %parallel_loop3A_332 = arith.index_cast %parallel_loop3A_117 : i32 to index
        %parallel_loop3A_333 = arith.constant 480 : index
        %parallel_loop3A_334 = tpu.vector_load %arg7[%parallel_loop3A_332, %parallel_loop3A_333] {strides = array<i32>} : memref<64x512xi32, #tpu.memory_space<vmem>>, vector<16xi32>,
        tpu.vector_store %arg7[%parallel_loop3A_332, %parallel_loop3A_333], %parallel_loop3A_331 {strides = array<i32>} : memref<64x512xi32, #tpu.memory_space<vmem>>, vector<16xi32>,
        %parallel_loop3A_335 = arith.index_cast %parallel_loop3A_117 : i32 to index
        %parallel_loop3A_336 = arith.constant 496 : index
        %parallel_loop3A_337 = tpu.vector_load %arg6[%parallel_loop3A_335, %parallel_loop3A_336] {strides = array<i32>} : memref<64x512xi32, #tpu.memory_space<vmem>>, vector<16xi32>,
        %parallel_loop3A_338 = tpu.vector_load_idx %arg5[%parallel_loop3A_337] : memref<128xi32, #tpu.memory_space<vmem>>[vector<16xi32>], vector<16xi32>,
        %parallel_loop3A_339 = arith.index_cast %parallel_loop3A_117 : i32 to index
        %parallel_loop3A_340 = arith.constant 496 : index
        %parallel_loop3A_341 = tpu.vector_load %arg7[%parallel_loop3A_339, %parallel_loop3A_340] {strides = array<i32>} : memref<64x512xi32, #tpu.memory_space<vmem>>, vector<16xi32>,
        tpu.vector_store %arg7[%parallel_loop3A_339, %parallel_loop3A_340], %parallel_loop3A_338 {strides = array<i32>} : memref<64x512xi32, #tpu.memory_space<vmem>>, vector<16xi32>,
      } {sc.loop_unroll_factor = 2 : i64, sc.parallel_access}
      %mul3A_99 = arith.constant 32 : i32
      %mul3A_100 = arith.muli %rem3A_71, %mul3A_99 : i32
      %mul3A_101 = arith.constant 32 : i32
      %mul3A_102 = arith.muli %scan3A_69, %mul3A_101 : i32
      %add3A_103 = arith.addi %mul3A_20, %mul3A_102 : i32
      %dma_start3A_104 = arith.constant 0 : i32
      %dma_start3A_105 = tpu.memref_slice %arg7[%mul3A_100, %dma_start3A_104] : memref<64x512xi32, #tpu.memory_space<vmem>> -> memref<32x512xi32, #tpu.memory_space<vmem>>
      %dma_start3A_106 = arith.constant 0 : i32
      %dma_start3A_107 = tpu.memref_slice %arg4[%add3A_103, %dma_start3A_106] : memref<8192x512xi32, #tpu.memory_space<hbm>> -> memref<32x512xi32, #tpu.memory_space<hbm>>
      %dma_start3A_108 = tpu.memref_slice %arg9[%rem3A_71] : memref<2x!tpu.dma_semaphore, #tpu.memory_space<semaphore_mem>> -> memref<1x!tpu.dma_semaphore, #tpu.memory_space<semaphore_mem>>
      %dma_start3A_109 = tpu.memref_squeeze %dma_start3A_108 : memref<1x!tpu.dma_semaphore, #tpu.memory_space<semaphore_mem>> -> memref<!tpu.dma_semaphore, #tpu.memory_space<semaphore_mem>>
      %dma_start3A_110 = arith.constant 0 : i32
      %dma_start3A_111 = tpu.memref_slice %arg4[%add3A_103, %dma_start3A_110] : memref<8192x512xi32, #tpu.memory_space<hbm>> -> memref<32x512xi32, #tpu.memory_space<hbm>>
      %dma_start3A_112 = arith.constant 0 : i32
      %dma_start3A_113 = tpu.memref_slice %arg7[%mul3A_100, %dma_start3A_112] : memref<64x512xi32, #tpu.memory_space<vmem>> -> memref<32x512xi32, #tpu.memory_space<vmem>>
      tpu.enqueue_dma source(%dma_start3A_113 : memref<32x512xi32, #tpu.memory_space<vmem>>) target(%dma_start3A_111 : memref<32x512xi32, #tpu.memory_space<hbm>>) target_semaphore(%dma_start3A_109 : memref<!tpu.dma_semaphore, #tpu.memory_space<semaphore_mem>>)
    }
    %scan3A_39 = arith.constant 8 : i32
    %add3A_40 = arith.constant 192 : i32
    %add3A_41 = arith.addi %mul3A_20, %add3A_40 : i32
    %dma_wait3A = arith.constant 0 : i32
    %dma_wait3A_42 = arith.constant 0 : i32
    %dma_wait3A_43 = arith.constant 0 : i32
    %dma_wait3A_44 = tpu.memref_slice %arg7[%dma_wait3A_42, %dma_wait3A_43] : memref<64x512xi32, #tpu.memory_space<vmem>> -> memref<32x512xi32, #tpu.memory_space<vmem>>
    %dma_wait3A_45 = arith.constant 0 : i32
    %dma_wait3A_46 = tpu.memref_slice %arg4[%add3A_41, %dma_wait3A_45] : memref<8192x512xi32, #tpu.memory_space<hbm>> -> memref<32x512xi32, #tpu.memory_space<hbm>>
    %dma_wait3A_47 = tpu.memref_slice %arg9[%dma_wait3A] : memref<2x!tpu.dma_semaphore, #tpu.memory_space<semaphore_mem>> -> memref<1x!tpu.dma_semaphore, #tpu.memory_space<semaphore_mem>>
    %dma_wait3A_48 = tpu.memref_squeeze %dma_wait3A_47 : memref<1x!tpu.dma_semaphore, #tpu.memory_space<semaphore_mem>> -> memref<!tpu.dma_semaphore, #tpu.memory_space<semaphore_mem>>
    %dma_wait3A_49 = arith.constant 0 : i32
    %dma_wait3A_50 = tpu.memref_slice %arg4[%add3A_41, %dma_wait3A_49] : memref<8192x512xi32, #tpu.memory_space<hbm>> -> memref<32x512xi32, #tpu.memory_space<hbm>>
    %dma_wait3A_51 = arith.constant 0 : i32
    %dma_wait3A_52 = arith.constant 0 : i32
    %dma_wait3A_53 = tpu.memref_slice %arg7[%dma_wait3A_51, %dma_wait3A_52] : memref<64x512xi32, #tpu.memory_space<vmem>> -> memref<32x512xi32, #tpu.memory_space<vmem>>
    tpu.wait_dma2 semaphore(%dma_wait3A_48 : memref<!tpu.dma_semaphore, #tpu.memory_space<semaphore_mem>>) src(%dma_wait3A_53 : memref<32x512xi32, #tpu.memory_space<vmem>>) dst(%dma_wait3A_50 : memref<32x512xi32, #tpu.memory_space<hbm>>)
    %add3A_54 = arith.constant 224 : i32
    %add3A_55 = arith.addi %mul3A_20, %add3A_54 : i32
    %dma_wait3A_56 = arith.constant 1 : i32
    %dma_wait3A_57 = arith.constant 32 : i32
    %dma_wait3A_58 = arith.constant 0 : i32
    %dma_wait3A_59 = tpu.memref_slice %arg7[%dma_wait3A_57, %dma_wait3A_58] : memref<64x512xi32, #tpu.memory_space<vmem>> -> memref<32x512xi32, #tpu.memory_space<vmem>>
    %dma_wait3A_60 = arith.constant 0 : i32
    %dma_wait3A_61 = tpu.memref_slice %arg4[%add3A_55, %dma_wait3A_60] : memref<8192x512xi32, #tpu.memory_space<hbm>> -> memref<32x512xi32, #tpu.memory_space<hbm>>
    %dma_wait3A_62 = tpu.memref_slice %arg9[%dma_wait3A_56] : memref<2x!tpu.dma_semaphore, #tpu.memory_space<semaphore_mem>> -> memref<1x!tpu.dma_semaphore, #tpu.memory_space<semaphore_mem>>
    %dma_wait3A_63 = tpu.memref_squeeze %dma_wait3A_62 : memref<1x!tpu.dma_semaphore, #tpu.memory_space<semaphore_mem>> -> memref<!tpu.dma_semaphore, #tpu.memory_space<semaphore_mem>>
    %dma_wait3A_64 = arith.constant 0 : i32
    %dma_wait3A_65 = tpu.memref_slice %arg4[%add3A_55, %dma_wait3A_64] : memref<8192x512xi32, #tpu.memory_space<hbm>> -> memref<32x512xi32, #tpu.memory_space<hbm>>
    %dma_wait3A_66 = arith.constant 32 : i32
    %dma_wait3A_67 = arith.constant 0 : i32
    %dma_wait3A_68 = tpu.memref_slice %arg7[%dma_wait3A_66, %dma_wait3A_67] : memref<64x512xi32, #tpu.memory_space<vmem>> -> memref<32x512xi32, #tpu.memory_space<vmem>>
    tpu.wait_dma2 semaphore(%dma_wait3A_63 : memref<!tpu.dma_semaphore, #tpu.memory_space<semaphore_mem>>) src(%dma_wait3A_68 : memref<32x512xi32, #tpu.memory_space<vmem>>) dst(%dma_wait3A_65 : memref<32x512xi32, #tpu.memory_space<hbm>>)
    return
  }
}

module attributes {stable_mosaic.version = 14 : i64} {
  func.func @_tc_body(%arg0: i32, %arg1: i32, %arg2: memref<1x512x512xi32, #tpu.memory_space<vmem>>, %arg3: memref<1x5x512x512xf32, #tpu.memory_space<vmem>>) attributes {dimension_semantics = [#tpu.dimension_semantics<arbitrary>, #tpu.dimension_semantics<arbitrary>], iteration_bounds = array<i64: 16, 1>, scalar_prefetch = 0 : i64, scratch_operands = 0 : i64, tpu.core_type = #tpu.core_type<tc>, window_params = [{transform_indices = @transform_0, window_bounds = array<i64: 1, 512, 512>}, {transform_indices = @transform_1, window_bounds = array<i64: 1, 5, 512, 512>}]} {
    %get3A = arith.constant 0 : index
    %get3A_0 = arith.constant 0 : index
    %get3A_1 = arith.constant 0 : index
    %get3A_2 = vector.load %arg2[%get3A, %get3A_0, %get3A_1] : memref<1x512x512xi32, #tpu.memory_space<vmem>>, vector<1x512x512xi32>
    %get3A_3 = vector.shape_cast %get3A_2 : vector<1x512x512xi32> to vector<512x512xi32>
    %ge3A = arith.constant 0 : i32
    %ge3A_4 = vector.broadcast %ge3A : i32 to vector<512x512xi32>
    %ge3A_5 = arith.cmpi sge, %get3A_3, %ge3A_4 : vector<512x512xi32>
    %convert_element_type3A = arith.extui %ge3A_5 : vector<512x512xi1> to vector<512x512xi32>
    %convert_element_type3A_6 = arith.sitofp %convert_element_type3A : vector<512x512xi32> to vector<512x512xf32>
    %shift_right_arithmetic3A = arith.constant 16 : i32
    %shift_right_arithmetic3A_7 = vector.broadcast %shift_right_arithmetic3A : i32 to vector<512x512xi32>
    %shift_right_arithmetic3A_8 = arith.shrsi %get3A_3, %shift_right_arithmetic3A_7 : vector<512x512xi32>
    %convert_element_type3A_9 = arith.sitofp %shift_right_arithmetic3A_8 : vector<512x512xi32> to vector<512x512xf32>
    %mul3A = arith.constant 1.562500e-02 : f32
    %mul3A_10 = vector.broadcast %mul3A : f32 to vector<512x512xf32>
    %mul3A_11 = arith.mulf %convert_element_type3A_9, %mul3A_10 : vector<512x512xf32>
    %jit3A = arith.constant -1.000000e+04 : f32
    %broadcast_in_dim3A = vector.broadcast %jit3A : f32 to vector<512x512xf32>
    %select_n3A = arith.select %ge3A_5, %mul3A_11, %broadcast_in_dim3A : vector<512x512xi1>, vector<512x512xf32>
    %and3A = arith.constant 65535 : i32
    %and3A_12 = vector.broadcast %and3A : i32 to vector<512x512xi32>
    %and3A_13 = arith.andi %get3A_3, %and3A_12 : vector<512x512xi32>
    %convert_element_type3A_14 = arith.sitofp %and3A_13 : vector<512x512xi32> to vector<512x512xf32>
    %mul3A_15 = arith.constant 1.562500e-02 : f32
    %mul3A_16 = vector.broadcast %mul3A_15 : f32 to vector<512x512xf32>
    %mul3A_17 = arith.mulf %convert_element_type3A_14, %mul3A_16 : vector<512x512xf32>
    %jit3A_18 = arith.constant -1.000000e+04 : f32
    %broadcast_in_dim3A_19 = vector.broadcast %jit3A_18 : f32 to vector<512x512xf32>
    %select_n3A_20 = arith.select %ge3A_5, %mul3A_17, %broadcast_in_dim3A_19 : vector<512x512xi1>, vector<512x512xf32>
    %mul3A_21 = arith.constant 512 : i32
    %mul3A_22 = arith.muli %arg1, %mul3A_21 : i32
    %iota3A = tpu.iota {dimensions = array<i32: 0>} : vector<512x512xi32>
    %add3A = vector.broadcast %mul3A_22 : i32 to vector<512x512xi32>
    %add3A_23 = arith.addi %add3A, %iota3A : vector<512x512xi32>
    %convert_element_type3A_24 = arith.sitofp %add3A_23 : vector<512x512xi32> to vector<512x512xf32>
    %iota3A_25 = tpu.iota {dimensions = array<i32: 1>} : vector<512x512xi32>
    %convert_element_type3A_26 = arith.sitofp %iota3A_25 : vector<512x512xi32> to vector<512x512xf32>
    %sub3A = arith.subf %select_n3A_20, %convert_element_type3A_24 : vector<512x512xf32>
    %sub3A_27 = arith.subf %select_n3A, %convert_element_type3A_26 : vector<512x512xf32>
    %abs3A = math.absf %sub3A : vector<512x512xf32>
    %lt3A = arith.constant 3.000000e+00 : f32
    %lt3A_28 = vector.broadcast %lt3A : f32 to vector<512x512xf32>
    %lt3A_29 = arith.cmpf olt, %abs3A, %lt3A_28 : vector<512x512xf32>
    %abs3A_30 = math.absf %sub3A_27 : vector<512x512xf32>
    %lt3A_31 = arith.constant 3.000000e+00 : f32
    %lt3A_32 = vector.broadcast %lt3A_31 : f32 to vector<512x512xf32>
    %lt3A_33 = arith.cmpf olt, %abs3A_30, %lt3A_32 : vector<512x512xf32>
    %and3A_34 = arith.andi %lt3A_29, %lt3A_33 : vector<512x512xi1>
    %convert_element_type3A_35 = arith.extui %and3A_34 : vector<512x512xi1> to vector<512x512xi32>
    %convert_element_type3A_36 = arith.sitofp %convert_element_type3A_35 : vector<512x512xi32> to vector<512x512xf32>
    %sub3A_37 = arith.constant 1.000000e+00 : f32
    %sub3A_38 = vector.broadcast %sub3A_37 : f32 to vector<512x512xf32>
    %sub3A_39 = arith.subf %sub3A_38, %convert_element_type3A_36 : vector<512x512xf32>
    %mul3A_40 = arith.mulf %sub3A, %sub3A : vector<512x512xf32>
    %mul3A_41 = arith.mulf %sub3A_27, %sub3A_27 : vector<512x512xf32>
    %add3A_42 = arith.addf %mul3A_40, %mul3A_41 : vector<512x512xf32>
    %max3A = arith.constant 9.99999996E-13 : f32
    %max3A_43 = vector.broadcast %max3A : f32 to vector<512x512xf32>
    %max3A_44 = arith.maximumf %add3A_42, %max3A_43 : vector<512x512xf32>
    %rsqrt3A = math.rsqrt %max3A_44 : vector<512x512xf32>
    %mul3A_45 = arith.mulf %convert_element_type3A_6, %rsqrt3A : vector<512x512xf32>
    %mul3A_46 = arith.mulf %add3A_42, %mul3A_45 : vector<512x512xf32>
    %swap3A = arith.constant 0 : index
    %swap3A_47 = arith.constant 0 : index
    %swap3A_48 = arith.constant 0 : index
    %swap3A_49 = arith.constant 0 : index
    %swap3A_50 = vector.load %arg3[%swap3A, %swap3A_47, %swap3A_48, %swap3A_49] : memref<1x5x512x512xf32, #tpu.memory_space<vmem>>, vector<1x1x512x512xf32>
    %swap3A_51 = vector.shape_cast %swap3A_50 : vector<1x1x512x512xf32> to vector<512x512xf32>
    %swap3A_52 = vector.shape_cast %mul3A_46 : vector<512x512xf32> to vector<1x1x512x512xf32>
    tpu.vector_store %arg3[%swap3A, %swap3A_47, %swap3A_48, %swap3A_49], %swap3A_52 {strides = array<i32>} : memref<1x5x512x512xf32, #tpu.memory_space<vmem>>, vector<1x1x512x512xf32>,
    %abs3A_53 = math.absf %sub3A : vector<512x512xf32>
    %abs3A_54 = math.absf %sub3A_27 : vector<512x512xf32>
    %max3A_55 = arith.maximumf %abs3A_53, %abs3A_54 : vector<512x512xf32>
    %min3A = arith.minimumf %abs3A_53, %abs3A_54 : vector<512x512xf32>
    %max3A_56 = arith.constant 1.000000e-30 : f32
    %max3A_57 = vector.broadcast %max3A_56 : f32 to vector<512x512xf32>
    %max3A_58 = arith.maximumf %max3A_55, %max3A_57 : vector<512x512xf32>
    %div3A = arith.divf %min3A, %max3A_58 : vector<512x512xf32>
    %mul3A_59 = arith.mulf %div3A, %div3A : vector<512x512xf32>
    %mul3A_60 = arith.constant -0.0389905907 : f32
    %mul3A_61 = vector.broadcast %mul3A_60 : f32 to vector<512x512xf32>
    %mul3A_62 = arith.mulf %mul3A_59, %mul3A_61 : vector<512x512xf32>
    %add3A_63 = arith.constant 0.146270528 : f32
    %add3A_64 = vector.broadcast %add3A_63 : f32 to vector<512x512xf32>
    %add3A_65 = arith.addf %add3A_64, %mul3A_62 : vector<512x512xf32>
    %mul3A_66 = arith.mulf %mul3A_59, %add3A_65 : vector<512x512xf32>
    %add3A_67 = arith.constant -0.321177483 : f32
    %add3A_68 = vector.broadcast %add3A_67 : f32 to vector<512x512xf32>
    %add3A_69 = arith.addf %add3A_68, %mul3A_66 : vector<512x512xf32>
    %mul3A_70 = arith.mulf %mul3A_59, %add3A_69 : vector<512x512xf32>
    %add3A_71 = arith.constant 0.999214053 : f32
    %add3A_72 = vector.broadcast %add3A_71 : f32 to vector<512x512xf32>
    %add3A_73 = arith.addf %add3A_72, %mul3A_70 : vector<512x512xf32>
    %mul3A_74 = arith.mulf %div3A, %add3A_73 : vector<512x512xf32>
    %gt3A = arith.cmpf ogt, %abs3A_54, %abs3A_53 : vector<512x512xf32>
    %sub3A_75 = arith.constant 1.57079637 : f32
    %sub3A_76 = vector.broadcast %sub3A_75 : f32 to vector<512x512xf32>
    %sub3A_77 = arith.subf %sub3A_76, %mul3A_74 : vector<512x512xf32>
    %select_n3A_78 = arith.select %gt3A, %sub3A_77, %mul3A_74 : vector<512x512xi1>, vector<512x512xf32>
    %lt3A_79 = arith.constant 0.000000e+00 : f32
    %lt3A_80 = vector.broadcast %lt3A_79 : f32 to vector<512x512xf32>
    %lt3A_81 = arith.cmpf olt, %sub3A, %lt3A_80 : vector<512x512xf32>
    %sub3A_82 = arith.constant 3.14159274 : f32
    %sub3A_83 = vector.broadcast %sub3A_82 : f32 to vector<512x512xf32>
    %sub3A_84 = arith.subf %sub3A_83, %select_n3A_78 : vector<512x512xf32>
    %select_n3A_85 = arith.select %lt3A_81, %sub3A_84, %select_n3A_78 : vector<512x512xi1>, vector<512x512xf32>
    %lt3A_86 = arith.constant 0.000000e+00 : f32
    %lt3A_87 = vector.broadcast %lt3A_86 : f32 to vector<512x512xf32>
    %lt3A_88 = arith.cmpf olt, %sub3A_27, %lt3A_87 : vector<512x512xf32>
    %neg3A = arith.constant 0.000000e+00 : f32
    %neg3A_89 = vector.broadcast %neg3A : f32 to vector<512x512xf32>
    %neg3A_90 = arith.subf %neg3A_89, %select_n3A_85 : vector<512x512xf32>
    %select_n3A_91 = arith.select %lt3A_88, %neg3A_90, %select_n3A_85 : vector<512x512xi1>, vector<512x512xf32>
    %swap3A_92 = arith.constant 0 : index
    %swap3A_93 = arith.constant 1 : index
    %swap3A_94 = arith.constant 0 : index
    %swap3A_95 = arith.constant 0 : index
    %swap3A_96 = vector.load %arg3[%swap3A_92, %swap3A_93, %swap3A_94, %swap3A_95] : memref<1x5x512x512xf32, #tpu.memory_space<vmem>>, vector<1x1x512x512xf32>
    %swap3A_97 = vector.shape_cast %swap3A_96 : vector<1x1x512x512xf32> to vector<512x512xf32>
    %swap3A_98 = vector.shape_cast %select_n3A_91 : vector<512x512xf32> to vector<1x1x512x512xf32>
    tpu.vector_store %arg3[%swap3A_92, %swap3A_93, %swap3A_94, %swap3A_95], %swap3A_98 {strides = array<i32>} : memref<1x5x512x512xf32, #tpu.memory_space<vmem>>, vector<1x1x512x512xf32>,
    %mul3A_99 = arith.mulf %sub3A_27, %mul3A_45 : vector<512x512xf32>
    %swap3A_100 = arith.constant 0 : index
    %swap3A_101 = arith.constant 2 : index
    %swap3A_102 = arith.constant 0 : index
    %swap3A_103 = arith.constant 0 : index
    %swap3A_104 = vector.load %arg3[%swap3A_100, %swap3A_101, %swap3A_102, %swap3A_103] : memref<1x5x512x512xf32, #tpu.memory_space<vmem>>, vector<1x1x512x512xf32>
    %swap3A_105 = vector.shape_cast %swap3A_104 : vector<1x1x512x512xf32> to vector<512x512xf32>
    %swap3A_106 = vector.shape_cast %mul3A_99 : vector<512x512xf32> to vector<1x1x512x512xf32>
    tpu.vector_store %arg3[%swap3A_100, %swap3A_101, %swap3A_102, %swap3A_103], %swap3A_106 {strides = array<i32>} : memref<1x5x512x512xf32, #tpu.memory_space<vmem>>, vector<1x1x512x512xf32>,
    %mul3A_107 = arith.mulf %sub3A, %mul3A_45 : vector<512x512xf32>
    %swap3A_108 = arith.constant 0 : index
    %swap3A_109 = arith.constant 3 : index
    %swap3A_110 = arith.constant 0 : index
    %swap3A_111 = arith.constant 0 : index
    %swap3A_112 = vector.load %arg3[%swap3A_108, %swap3A_109, %swap3A_110, %swap3A_111] : memref<1x5x512x512xf32, #tpu.memory_space<vmem>>, vector<1x1x512x512xf32>
    %swap3A_113 = vector.shape_cast %swap3A_112 : vector<1x1x512x512xf32> to vector<512x512xf32>
    %swap3A_114 = vector.shape_cast %mul3A_107 : vector<512x512xf32> to vector<1x1x512x512xf32>
    tpu.vector_store %arg3[%swap3A_108, %swap3A_109, %swap3A_110, %swap3A_111], %swap3A_114 {strides = array<i32>} : memref<1x5x512x512xf32, #tpu.memory_space<vmem>>, vector<1x1x512x512xf32>,
    %swap3A_115 = arith.constant 0 : index
    %swap3A_116 = arith.constant 4 : index
    %swap3A_117 = arith.constant 0 : index
    %swap3A_118 = arith.constant 0 : index
    %swap3A_119 = vector.load %arg3[%swap3A_115, %swap3A_116, %swap3A_117, %swap3A_118] : memref<1x5x512x512xf32, #tpu.memory_space<vmem>>, vector<1x1x512x512xf32>
    %swap3A_120 = vector.shape_cast %swap3A_119 : vector<1x1x512x512xf32> to vector<512x512xf32>
    %swap3A_121 = vector.shape_cast %sub3A_39 : vector<512x512xf32> to vector<1x1x512x512xf32>
    tpu.vector_store %arg3[%swap3A_115, %swap3A_116, %swap3A_117, %swap3A_118], %swap3A_121 {strides = array<i32>} : memref<1x5x512x512xf32, #tpu.memory_space<vmem>>, vector<1x1x512x512xf32>,
    return
  }
  func.func @transform_0(%arg0: i32, %arg1: i32) -> (i32, i32, i32) {
    %c0_i32 = arith.constant 0 : i32
    %c0_i32_0 = arith.constant 0 : i32
    return %arg0, %arg1, %c0_i32 : i32, i32, i32
  }
  func.func @transform_1(%arg0: i32, %arg1: i32) -> (i32, i32, i32, i32) {
    %c0_i32 = arith.constant 0 : i32
    %c0_i32_0 = arith.constant 0 : i32
    %c0_i32_1 = arith.constant 0 : i32
    return %arg0, %c0_i32, %arg1, %c0_i32_0 : i32, i32, i32, i32
  }
}

</mosaic_0001>

<sc_bundles>
// kernel: kernel.4.cloned.1.call-start
scs
__scs_entry_jumppad:
0x0: {  	(pc) =	sbr.rel $0x88, $3  }
0x1: {  	(tag) =	ssettag $0x0;
	lr =	simm.s32 $0x1  }
0x2: {  	[smem:$0x3F9F] =	sst lr;
	_ =	strace $0xD0000000  }
0x3: {  	_ = 	snop  }
0x4: {  	_ = 	snop  }
0x5: {  	_ = 	snop  }
0x6: {  	_ = 	snop  }
0x7: {  	_ = 	snop  }
__scs_overlays_trampoline_lowered:
0x8: {  	[smem:$0x3FAE] =	sst s0  }
0x9: {  	[smem:$0x3FAF] =	sst s1  }
0xa: {  	[smem:$0x3FB0] =	sst s2  }
0xb: {  	[smem:$0x3FB1] =	sst s3  }
0xc: {  	[smem:$0x3FB2] =	sst s4  }
0xd: {  	[smem:$0x3FB3] =	sst s5  }
0xe: {  	[smem:$0x3FB4] =	sst s6  }
0xf: {  	[smem:$0x3FB5] =	sst s7  }
0x10: {  	[smem:$0x3FB6] =	sst s8  }
0x11: {  	[smem:$0x3FB7] =	sst s9;
	s0 =	simm.s32 @!p0 $0x0  }
0x12: {  	s1 =	sld [smem:$0x3F9D];
	s0 =	simm.s32 @p0 $0x1  }
0x13: {  	[smem:$0x3FB8] =	sst s0;
	s0 =	simm.s32 @!p1 $0x0  }
0x14: {  	s2 =	sld [smem:$0x3F9C];
	s0 =	simm.s32 @p1 $0x1  }
0x15: {  	[smem:$0x3FB9] =	sst s0;
	s0 =	simm.s32 @!p2 $0x0  }
0x16: {  	s3 =	sld [smem:$0x3FDB];
	s0 =	simm.s32 @p2 $0x1  }
0x17: {  	s4 =	simm.s32 $0x1BF5;
	[smem:$0x3FBB] =	sst s0  }
0x18: {  	s0 =	sld [smem:$0x3F9E];
	_ =	swait.ge [sflag:s4], $0x0  }
0x19: {  	s7 =	sld [smem:$0x3F9F]  }
0x1a: {  	s8 =	sadd.s32 $0xFFFFE003, lr  }
0x1b: {  	s9 =	sadd.s32 $0xFFFFFEF7, lr;
	s5 =	simm.s32 $0xFFFFFFFF;
	p2 =	slt.u32 s8, $0xFFFFF086  }
0x1c: {  	p1 =	slt.u32 s9, $0xF7A;
	s5 =	simm.s32 @!p2 $0x0  }
0x1d: {  	s5 =	simm.s32 @p1 $0x1;
	p0 =	seq.s32 s7, s2  }
0x1e: {  	s7 =	smul.u32 @!p0 $0xF7A, s2;
	p2 =	seq.s32 @!p0 s5, $0x0  }
0x1f: {  	s9 =	smul.u32 $0xF7A, s1;
	s8 =	simm.s32 @!p0 $0x1BF5;
	p2 =	por !p2, p0  }
0x20: {  	[sflag:s8] =	ssyncset.s32 @!p0 $0xFFFFF086;
	s6 =	sadd.s32 @!p0 s3, s7;
	s7 =	simm.s32 @!p0 $0x108  }
0x21: {  	s3 =	sadd.s32 s3, s9;
	s6 =	sadd.s32 @!p0 $0x88, s6;
	s7 =	simm.s32 @p2 $0x1082  }
0x22: {  	[simem:s7], [sflag:s8] =	dma.local @!p0 [hbm:s6], $0xF7A  }
0x23: {  	s9 =	sor.u32 $0xD0000000, s2;
	s6 =	simm.s32 $0x108;
	_ =	swait.ge @!p0 [sflag:s8], $0x0  }
0x24: {  	s3 =	sadd.s32 $0x88, s3;
	s6 =	simm.s32 @!p1 $0x1082;
	[sflag:s4] =	ssyncset.s32 $0xFFFFF086  }
0x25: {  	[simem:s6], [sflag:s4] =	dma.local [hbm:s3], $0xF7A  }
0x26: {  	[smem:$0x3F9F] =	sst s1;
	(tag) =	ssettag s2;
	_ =	strace s9  }
0x27: {  	s1 =	sld [smem:$0x3FAF]  }
0x28: {  	s2 =	sld [smem:$0x3FB0]  }
0x29: {  	s4 =	sld [smem:$0x3FB2]  }
0x2a: {  	p0 =	seq.s32 s5, $0x0;
	s5 =	sld [smem:$0x3FB3]  }
0x2b: {  	s6 =	sld [smem:$0x3FB4]  }
0x2c: {  	s7 =	sld [smem:$0x3FB5]  }
0x2d: {  	s3 =	simm.s32 $0x108;
	s8 =	sld [smem:$0x3FB6]  }
0x2e: {  	s3 =	simm.s32 @!p0 $0x1082;
	s9 =	sld [smem:$0x3FB7]  }
0x2f: {  	lr =	sadd.s32 s0, s3;
	s0 =	sld [smem:$0x3FAE]  }
0x30: {  	s3 =	sld [smem:$0x3FB1]  }
0x31: {  	[smem:$0x3FBA] =	sst s10  }
0x32: {  	s10 =	sld [smem:$0x3FB8];
	_ =	sdelay $0x3  }
0x33: {  	p0 =	seq.s32 s10, $0x1;
	s10 =	sld [smem:$0x3FBA];
	_ =	sdelay $0x3  }
0x34: {  	[smem:$0x3FBA] =	sst s10  }
0x35: {  	s10 =	sld [smem:$0x3FB9];
	_ =	sdelay $0x3  }
0x36: {  	p1 =	seq.s32 s10, $0x1;
	s10 =	sld [smem:$0x3FBA];
	_ =	sdelay $0x3  }
0x37: {  	[smem:$0x3FBA] =	sst s10  }
0x38: {  	s10 =	sld [smem:$0x3FBB]  }
0x39: {  	_ = 	snop;
	(pc) =	sbr.ind lr, $3  }
0x3a: {  	_ = 	snop  }
0x3b: {  	_ = 	snop  }
0x3c: {  	p2 =	seq.s32 s10, $0x1;
	s10 =	sld [smem:$0x3FBA]  }
0x3d: {  	_ =	shalt  }
0x3e: {  	_ =	shalt  }
0x3f: {  	_ =	shalt  }
0x40: {  	_ =	shalt  }
0x41: {  	_ =	shalt  }
0x42: {  	_ =	shalt  }
0x43: {  	_ =	shalt  }
0x44: {  	_ =	shalt  }
0x45: {  	_ =	shalt  }
0x46: {  	_ =	shalt  }
0x47: {  	_ =	shalt  }
0x48: {  	_ =	shalt  }
0x49: {  	_ =	shalt  }
0x4a: {  	_ =	shalt  }
0x4b: {  	_ =	shalt  }
0x4c: {  	_ =	shalt  }
0x4d: {  	_ =	shalt  }
0x4e: {  	_ =	shalt  }
0x4f: {  	_ =	shalt  }
0x50: {  	_ =	shalt  }
0x51: {  	_ =	shalt  }
0x52: {  	_ =	shalt  }
0x53: {  	_ =	shalt  }
0x54: {  	_ =	shalt  }
0x55: {  	_ =	shalt  }
0x56: {  	_ =	shalt  }
0x57: {  	_ =	shalt  }
0x58: {  	_ =	shalt  }
0x59: {  	_ =	shalt  }
0x5a: {  	_ =	shalt  }
0x5b: {  	_ =	shalt  }
0x5c: {  	_ =	shalt  }
0x5d: {  	_ =	shalt  }
0x5e: {  	_ =	shalt  }
0x5f: {  	_ =	shalt  }
0x60: {  	_ =	shalt  }
0x61: {  	_ =	shalt  }
0x62: {  	_ =	shalt  }
0x63: {  	_ =	shalt  }
0x64: {  	_ =	shalt  }
0x65: {  	_ =	shalt  }
0x66: {  	_ =	shalt  }
0x67: {  	_ =	shalt  }
0x68: {  	_ =	shalt  }
0x69: {  	_ =	shalt  }
0x6a: {  	_ =	shalt  }
0x6b: {  	_ =	shalt  }
0x6c: {  	_ =	shalt  }
0x6d: {  	_ =	shalt  }
0x6e: {  	_ =	shalt  }
0x6f: {  	_ =	shalt  }
0x70: {  	_ =	shalt  }
0x71: {  	_ =	shalt  }
0x72: {  	_ =	shalt  }
0x73: {  	_ =	shalt  }
0x74: {  	_ =	shalt  }
0x75: {  	_ =	shalt  }
0x76: {  	_ =	shalt  }
0x77: {  	_ =	shalt  }
0x78: {  	_ =	shalt  }
0x79: {  	_ =	shalt  }
0x7a: {  	_ =	shalt  }
0x7b: {  	_ =	shalt  }
0x7c: {  	_ =	shalt  }
0x7d: {  	_ =	shalt  }
0x7e: {  	_ =	shalt  }
0x7f: {  	_ =	shalt  }
0x80: {  	_ =	shalt  }
0x81: {  	_ =	shalt  }
0x82: {  	_ =	shalt  }
0x83: {  	_ =	shalt  }
0x84: {  	_ =	shalt  }
0x85: {  	_ =	shalt  }
0x86: {  	_ =	shalt  }
0x87: {  	_ =	shalt  }
.Lfunc_end0:
.L_simem_size_0:
called_computation_lowered:
.L_overlay_start_0:
0x88: {  	s2 =	sld [smem:$0x3FD9]  }
0x89: {  	s3 =	sld [smem:$0x3FFE];
	_ =	sdelay $0x1  }
0x8a: {  	s1 =	srdreg.scid  }
0x8b: {  	s0 =	sand.u32 $0x1, s1  }
0x8c: {  	s17 =	sshll.u32 s0, $0xA;
	s2 =	sadd.s32 s3, s2  }
0x8d: {  	s2 =	sadd.s32 s2, s17  }
0x8e: {  	[smem:$0x3FC6] =	sst s2  }
0x8f: {  	_ = 	snop  }
0x90: {  	s2 =	sld [smem:$0x3FC9]  }
0x91: {  	s18 =	sld [smem:$0x3FD0];
	(tm) =	ssettm $0x1  }
0x92: {  	s4 =	sld [smem:$0x3FFB];
	_ =	sdelay $0x3  }
0x93: {  	_ =	strace s4  }
0x94: {  	s4 =	sld [smem:$0x3FFC];
	_ =	sdelay $0x3  }
0x95: {  	_ =	strace s4  }
0x96: {  	s4 =	sld [smem:$0x3FFD];
	_ =	sdelay $0x3  }
0x97: {  	_ =	strace s4  }
0x98: {  	_ =	strace $0x8FFFFFFF  }
0x99: {  	s19 =	sld [smem:$0x3FDB];
	_ =	sdelay $0x1  }
0x9a: {  	s5 =	simm.s32 $_scs_section_size  }
0x9b: {  	s6 =	simm.s32 $_size__tile_overlayer_lowered;
	s7 =	simm.s32 $_tile_overlayer_lowered  }
0x9c: {  	s22 =	simm.s32 $0x1BFF;
	s21 =	sshll.u32 s7, $0x1;
	s4 =	sadd.s32 s5, s19  }
0x9d: {  	s8 =	simm.s32 $0x0;
	s20 =	sshll.u32 s6, $0x1;
	s6 =	sadd.s32 s21, s4  }
0x9e: {  	[timem:s8], [sflag:s22] =	dma.local [hbm:s6], s20  }
0x9f: {  	_ =	swait.ge [sflag:s22], s20  }
0xa0: {  	s5 =	ssub.s32 $0x0, s20;
	[sflag:s22] =	ssyncset.done $0x0  }
0xa1: {  	[sflag:s22] =	ssyncadd.s32 s5;
	_ =	sdelay $0x1  }
0xa2: {  	s23 =	simm.s32 $0x1B8B  }
0xa3: {  	_ =	swait.ge [sflag:s23], $0x1  }
0xa4: {  	[sflag:s23] =	ssyncset.done $0x0  }
0xa5: {  	s25 =	simm.s32 $0x1B8E;
	s24 =	sld [smem:$0x3FFE];
	[sflag:s23] =	ssyncadd.s32 $0xFFFFFFFF  }
0xa6: {  	s26 =	simm.s32 $execute0_lowered;
	[smem:$0x3FD2] =	sst s25  }
0xa7: {  	s6 =	sshll.u32 s26, $0x1;
	_ =	strace $0x80000046;
	[dreg:$0x1] =	wrdreg $0xFFFFFFFF  }
0xa8: {  	s28 =	simm.s32 $_size_execute0_lowered;
	s4 =	sadd.s32 s4, s6;
	[dreg:$0x0] =	wrdreg $0x0  }
0xa9: {  	s6 =	sshll.u32 s28, $0x1;
	[dreg:$0x2] =	wrdreg s4  }
0xaa: {  	[dreg:$0x3] =	wrdreg s6  }
0xab: {  	[dreg:$0x4] =	wrdreg $0xC0  }
0xac: {  	_ =	task [dreg:s8], $0x5FFFF  }
0xad: {  	[dreg:$0x1] =	wrdreg $0xFFFFFFFF  }
0xae: {  	[dreg:$0x0] =	wrdreg $0x60  }
0xaf: {  	[dreg:$0x2] =	wrdreg s24  }
0xb0: {  	[dreg:$0x3] =	wrdreg s2  }
0xb1: {  	[dreg:$0x4] =	wrdreg s18  }
0xb2: {  	[dreg:$0x5] =	wrdreg $0x9  }
0xb3: {  	_ =	task.clear_ibuf [dreg:s8], $0x6FFFF;
	_ =	strace $0x90000046  }
0xb4: {  	s29 =	simm.s32 $0x9;
	_ =	strace $0x80000048  }
0xb5: {  	_ =	swait.ge [sflag:s29], $0x1  }
0xb6: {  	[sflag:s29] =	ssyncadd.s32 $0xFFFFFFFF  }
0xb7: {  	_ =	strace $0x90000048  }
0xb8: {  	_ =	sfence  }
0xb9: {  	s30 =	sld [smem:$0x0];
	_ =	sdelay $0x2  }
0xba: {  	s31 =	sshll.u32 s1, $0xD;
	s1 =	sshrl.u32 s1, $0x2  }
0xbb: {  	s3 =	sand.u32 $0x4000, s31;
	s1 =	sadd.s32 s1, s30  }
0xbc: {  	s0 =	sor.u32 s3, s0;
	s1 =	sshll.u32 s1, $0x11  }
0xbd: {  	s0 =	sor.u32 s1, s0  }
0xbe: {  	s0 =	sadd.s32 $0x8F2B, s0  }
0xbf: {  	[sflag:s0] =	ssyncadd.remote.s32 $0x1  }
0xc0: {  	_ =	sfence.sel $0xFFFF  }
0xc1: {  	[dreg:$0x0] =	wrdreg $0xFFFFFFFF;
	(pc) =	sbr.abs _section_cstart, $3  }
0xc2: {  	[dreg:$0x1] =	wrdreg $0xFFFFFFFF  }
0xc3: {  	_ =	task.clear_ibuf [dreg:s8], $0x2FFFF;
	_ =	strace $0x9FFFFFFF  }
0xc4: {  	(tm) =	ssettm $0x7FFFFFFF  }
0xc5: {  	_ =	shalt  }
tec
execute0_lowered:
.L_overlay_start_1:
0x0: {  	(tag) =	ssettag $0x1  }
0x1: {  	s1 =	srdreg.scid;
	s0 =	stileid.u32  }
0x2: {  	s5 =	rddreg [dreg:$0x0];
	s3 =	sand.u32 $0x1, s1;
	s29 =	sshll.u32 s0, $0x1  }
0x3: {  	s6 =	rddreg [dreg:$0x1];
	s7 =	simm.s32 $0x1;
	s4 =	sor.u32 s3, s29  }
0x4: {  	s8 =	rddreg [dreg:$0x2];
	p1 =	seq.s32 s3, $0x1;
	p0 =	seq.s32 s4, $0x0  }
0x5: {  	s2 =	simm.s32 $0x0;
	s10 =	simm.s32 $0x4;
	p0 =	por !p0, !p1  }
0x6: {  	s11 =	simm.s32 $0x0;
	s1 =	rddreg [dreg:$0x3];
	p0 =	por !p0, !p0  }
0x7: {  	[smem:$0x7FF] =	sst s2;
	s3 =	ssub.s32 $0x2, s3;
	s7 =	simm.s32 @!p0 $0x0  }
0x8: {  	_ =	strace $0x80000047;
	s9 =	sshrl.u32 s3, $0x1;
	s7 =	ssub.s32 s0, s7  }
0x9: {  	s31 =	sshll.u32 s4, $0xE;
	s30 =	ssub.s32 s3, s9;
	s7 =	sshll.u32 s7, $0x4  }
0xa: {  	s4 =	sadd.s32 s6, s31;
	s9 =	simm.s32 $0x3;
	s7 =	sand.u32 $0x1FFFFFF0, s7  }
0xb: {  	s6 =	smax.u32 s30, $0x1;
	s5 =	sadd.s32 s7, s5;
	s7 =	simm.s32 $0x5  }
0xc: {  	s3 =	sadd.s32 $0x600, s5;
	s5 =	sadd.s32 s8, s31;
	s8 =	simm.s32 $0x80  }
.LBB2_1:
0xd: {  	[tilespmem:s2], [sflag:$0x5] =	stream.linear.gather [hbm4b:s3+s2], $0x80, $0x38;
	[tilespmem:$0x10080] =	vst v63  }
0xe: {  	_ =	swait.ge [sflag:s7], $0x80  }
0xf: {  	[sflag:s7] =	ssyncset.done $0x0  }
0x10: {  	p0 =	por $0x0, $0x0;
	s18 =	simm.s32 $0x0;
	[sflag:s7] =	ssyncadd.s32 $0xFFFFFF80  }
0x11: {  	[tilespmem:s8], [sflag:$0x1] =	stream.linear.gather [hbm4b:s4+s2], $0x4000, $0x38;
	[tilespmem:$0x10080] =	vst v63  }
.LBB2_2:
0x12: {  	s13 =	sand.u32 $0x1, s18  }
0x13: {  	s12 =	sadd.s32 $0x1, s13  }
0x14: {  	_ =	swait.ge [sflag:s12], $0x4000  }
0x15: {  	p1 =	seq.s32 s18, $0x7;
	[sflag:s12] =	ssyncset.done $0x0  }
0x16: {  	s14 =	sxor.u32 @!p1 $0x1, s13;
	[sflag:s12] =	ssyncadd.s32 $0xFFFFC000;
	s12 =	sadd.s32 $0x1, s18  }
0x17: {  	s16 =	sadd.s32 @!p1 $0x1, s14;
	s14 =	sshll.u32 @!p1 s14, $0xE;
	s15 =	sshll.u32 @!p1 s12, $0xB  }
0x18: {  	s17 =	simm.s32 @!p1 $0x0;
	s14 =	sor.u32 @!p1 $0x80, s14;
	s15 =	sadd.s32 @!p1 s15, s4  }
0x19: {  	[tilespmem:s14], [sflag:s16] =	stream.linear.gather @!p1 [hbm4b:s15+s17], $0x4000, $0x38;
	[tilespmem:$0x10080] =	vst v63  }
0x1a: {  	p2 =	slt.u32 @!p1 s18, $0x2;
	s15 =	simm.s32 $0x1  }
0x1b: {  	p1 =	por p1, !p2;
	s14 =	sadd.s32 $0x3, s13;
	s15 =	simm.s32 @!p0 $0x0  }
0x1c: {  	s20 =	simm.s32 $0x0;
	_ =	swait.ge @p1 [sflag:s14], $0x4000;
	s24 =	sshll.u32 s15, $0xE  }
0x1d: {  	s25 =	sand.u32 $0x300, s20;
	[sflag:s14] =	ssyncset.done @p1 $0x0;
	s15 =	sand.u32 $0x7000, s24  }
0x1e: {  	[sflag:s14] =	ssyncadd.s32 @p1 $0xFFFFC000;
	s15 =	sor.u32 s25, s15  }
0x1f: {  	v0 =	vld [tilespmem:s15+$0x80];
	_ =	sdelay $0x6  }
0x20: {  	v1 =	vld [tilespmem:s15+$0x90]  }
0x21: {  	v0 =	vld.idx.msk [tilespmem:v0+s2+$0x0], $0xffff;
	_ =	sdelay $0x2  }
0x22: {  	v2 =	vld [tilespmem:s15+$0x100];
	_ =	sdelay $0x1  }
0x23: {  	[tilespmem:s15+$0x8080] =	vst v0;
	v0 =	vld [tilespmem:s15+$0xA0];
	_ =	sdelay $0x1  }
0x24: {  	v1 =	vld.idx.msk [tilespmem:v1+s2+$0x0], $0xffff;
	_ =	sdelay $0x1  }
0x25: {  	v3 =	vld [tilespmem:s15+$0x110];
	_ =	sdelay $0x1  }
0x26: {  	v2 =	vld.idx.msk [tilespmem:v2+s2+$0x0], $0xffff  }
0x27: {  	[tilespmem:s15+$0x8090] =	vst v1;
	v1 =	vld [tilespmem:s15+$0xB0]  }
0x28: {  	v0 =	vld.idx.msk [tilespmem:v0+s2+$0x0], $0xffff;
	_ =	sdelay $0x2  }
0x29: {  	v4 =	vld [tilespmem:s15+$0x120];
	[tilespmem:s15+$0x8100] =	vst v2  }
0x2a: {  	v2 =	vld.idx.msk [tilespmem:v3+s2+$0x0], $0xffff  }
0x2b: {  	[tilespmem:s15+$0x80A0] =	vst v0;
	v0 =	vld [tilespmem:s15+$0xC0];
	_ =	sdelay $0x1  }
0x2c: {  	v1 =	vld.idx.msk [tilespmem:v1+s2+$0x0], $0xffff;
	_ =	sdelay $0x1  }
0x2d: {  	v5 =	vld [tilespmem:s15+$0x130]  }
0x2e: {  	[tilespmem:s15+$0x8110] =	vst v2  }
0x2f: {  	v2 =	vld.idx.msk [tilespmem:v4+s2+$0x0], $0xffff  }
0x30: {  	[tilespmem:s15+$0x80B0] =	vst v1;
	v1 =	vld [tilespmem:s15+$0xD0]  }
0x31: {  	v0 =	vld.idx.msk [tilespmem:v0+s2+$0x0], $0xffff;
	_ =	sdelay $0x2  }
0x32: {  	v3 =	vld [tilespmem:s15+$0x140];
	[tilespmem:s15+$0x8120] =	vst v2  }
0x33: {  	v2 =	vld.idx.msk [tilespmem:v5+s2+$0x0], $0xffff  }
0x34: {  	[tilespmem:s15+$0x80C0] =	vst v0;
	v0 =	vld [tilespmem:s15+$0xE0];
	_ =	sdelay $0x1  }
0x35: {  	v1 =	vld.idx.msk [tilespmem:v1+s2+$0x0], $0xffff;
	_ =	sdelay $0x1  }
0x36: {  	v6 =	vld [tilespmem:s15+$0x150]  }
0x37: {  	[tilespmem:s15+$0x8130] =	vst v2  }
0x38: {  	v2 =	vld.idx.msk [tilespmem:v3+s2+$0x0], $0xffff  }
0x39: {  	[tilespmem:s15+$0x80D0] =	vst v1;
	v1 =	vld [tilespmem:s15+$0xF0]  }
0x3a: {  	v0 =	vld.idx.msk [tilespmem:v0+s2+$0x0], $0xffff;
	_ =	sdelay $0x2  }
0x3b: {  	v4 =	vld [tilespmem:s15+$0x160];
	[tilespmem:s15+$0x8140] =	vst v2  }
0x3c: {  	v2 =	vld.idx.msk [tilespmem:v6+s2+$0x0], $0xffff  }
0x3d: {  	[tilespmem:s15+$0x80E0] =	vst v0;
	v0 =	vld [tilespmem:s15+$0x480];
	_ =	sdelay $0x1  }
0x3e: {  	v1 =	vld.idx.msk [tilespmem:v1+s2+$0x0], $0xffff;
	_ =	sdelay $0x1  }
0x3f: {  	v5 =	vld [tilespmem:s15+$0x170]  }
0x40: {  	[tilespmem:s15+$0x8150] =	vst v2  }
0x41: {  	v2 =	vld.idx.msk [tilespmem:v4+s2+$0x0], $0xffff  }
0x42: {  	[tilespmem:s15+$0x80F0] =	vst v1;
	v1 =	vld [tilespmem:s15+$0x490]  }
0x43: {  	v0 =	vld.idx.msk [tilespmem:v0+s2+$0x0], $0xffff;
	_ =	sdelay $0x2  }
0x44: {  	v3 =	vld [tilespmem:s15+$0x500];
	[tilespmem:s15+$0x8160] =	vst v2  }
0x45: {  	v4 =	vld.idx.msk [tilespmem:v5+s2+$0x0], $0xffff  }
0x46: {  	[tilespmem:s15+$0x8480] =	vst v0;
	v0 =	vld [tilespmem:s15+$0x4A0];
	_ =	sdelay $0x1  }
0x47: {  	v1 =	vld.idx.msk [tilespmem:v1+s2+$0x0], $0xffff;
	_ =	sdelay $0x1  }
0x48: {  	v7 =	vld [tilespmem:s15+$0x510]  }
0x49: {  	[tilespmem:s15+$0x8170] =	vst v4  }
0x4a: {  	v3 =	vld.idx.msk [tilespmem:v3+s2+$0x0], $0xffff  }
0x4b: {  	[tilespmem:s15+$0x8490] =	vst v1;
	v1 =	vld [tilespmem:s15+$0x4B0]  }
0x4c: {  	v0 =	vld.idx.msk [tilespmem:v0+s2+$0x0], $0xffff;
	_ =	sdelay $0x1  }
0x4d: {  	v8 =	vld [tilespmem:s15+$0x520]  }
0x4e: {  	v9 =	vld [tilespmem:s15+$0x530];
	[tilespmem:s15+$0x8500] =	vst v3  }
0x4f: {  	v3 =	vld.idx.msk [tilespmem:v7+s2+$0x0], $0xffff  }
0x50: {  	[tilespmem:s15+$0x84A0] =	vst v0;
	v0 =	vld [tilespmem:s15+$0x4C0]  }
0x51: {  	v13 =	vld [tilespmem:s15+$0x540]  }
0x52: {  	v1 =	vld.idx.msk [tilespmem:v1+s2+$0x0], $0xffff  }
0x53: {  	v14 =	vld [tilespmem:s15+$0x550]  }
0x54: {  	v16 =	vld [tilespmem:s15+$0x560]  }
0x55: {  	v17 =	vld [tilespmem:s15+$0x570];
	[tilespmem:s15+$0x8510] =	vst v3  }
0x56: {  	v5 =	vld.idx.msk [tilespmem:v8+s2+$0x0], $0xffff  }
0x57: {  	[tilespmem:s15+$0x84B0] =	vst v1;
	v1 =	vld [tilespmem:s15+$0x4D0]  }
0x58: {  	v4 =	vld.idx.msk [tilespmem:v0+s2+$0x0], $0xffff  }
0x59: {  	v12 =	vld [tilespmem:s15+$0x900]  }
0x5a: {  	v11 =	vld [tilespmem:s15+$0x930]  }
0x5b: {  	v10 =	vld [tilespmem:s15+$0x940];
	[tilespmem:s15+$0x8520] =	vst v5  }
0x5c: {  	v5 =	vld.idx.msk [tilespmem:v9+s2+$0x0], $0xffff  }
0x5d: {  	[tilespmem:s15+$0x84C0] =	vst v4;
	v4 =	vld [tilespmem:s15+$0x4E0]  }
0x5e: {  	s26 =	simm.s32 $0x100;
	s19 =	sadd.s32 $0x400, s24;
	v18 =	vld [tilespmem:s15+$0x950]  }
0x5f: {  	s16 =	sand.u32 $0x300, s26;
	s21 =	sand.u32 $0x7000, s19;
	v7 =	vld.idx.msk [tilespmem:v1+s2+$0x0], $0xffff  }
0x60: {  	v20 =	vld [tilespmem:s15+$0x960];
	s16 =	sor.u32 s16, s21  }
0x61: {  	v21 =	vld [tilespmem:s16+$0x100]  }
0x62: {  	v15 =	vld [tilespmem:s15+$0xD10];
	[tilespmem:s15+$0x8530] =	vst v5  }
0x63: {  	v9 =	vld.idx.msk [tilespmem:v13+s2+$0x0], $0xffff  }
0x64: {  	[tilespmem:s15+$0x84D0] =	vst v7;
	v7 =	vld [tilespmem:s15+$0x4F0]  }
0x65: {  	v8 =	vld.idx.msk [tilespmem:v4+s2+$0x0], $0xffff  }
0x66: {  	v19 =	vld [tilespmem:s15+$0x8A0]  }
0x67: {  	v22 =	vld [tilespmem:s16+$0x110]  }
0x68: {  	v23 =	vld [tilespmem:s16+$0x90]  }
0x69: {  	v21 =	vld.idx.msk [tilespmem:v21+s2+$0x0], $0xffff;
	[tilespmem:s15+$0x8540] =	vst v9  }
0x6a: {  	[tilespmem:s15+$0x84E0] =	vst v8;
	v8 =	vld [tilespmem:s15+$0x880]  }
0x6b: {  	v13 =	vld.idx.msk [tilespmem:v14+s2+$0x0], $0xffff  }
0x6c: {  	v7 =	vld.idx.msk [tilespmem:v7+s2+$0x0], $0xffff  }
0x6d: {  	v24 =	vld [tilespmem:s16+$0x120]  }
0x6e: {  	v25 =	vld [tilespmem:s16+$0x130];
	[tilespmem:s16+$0x8100] =	vst v21  }
0x6f: {  	v21 =	vld.idx.msk [tilespmem:v22+s2+$0x0], $0xffff  }
0x70: {  	v14 =	vld [tilespmem:s15+$0x890];
	[tilespmem:s15+$0x8550] =	vst v13  }
0x71: {  	v13 =	vld [tilespmem:s16+$0x80];
	[tilespmem:s15+$0x84F0] =	vst v7  }
0x72: {  	v8 =	vld.idx.msk [tilespmem:v8+s2+$0x0], $0xffff  }
0x73: {  	v26 =	vld [tilespmem:s16+$0x150]  }
0x74: {  	v22 =	vld [tilespmem:s16+$0x140]  }
0x75: {  	[tilespmem:s16+$0x8110] =	vst v21;
	v21 =	vld [tilespmem:s16+$0x160]  }
0x76: {  	v6 =	vld [tilespmem:s15+$0x920]  }
0x77: {  	v2 =	vld [tilespmem:s15+$0x910];
	[tilespmem:s15+$0x8880] =	vst v8  }
0x78: {  	v14 =	vld.idx.msk [tilespmem:v14+s2+$0x0], $0xffff  }
0x79: {  	v3 =	vld [tilespmem:s15+$0xD20]  }
0x7a: {  	v13 =	vld.idx.msk [tilespmem:v13+s2+$0x0], $0xffff  }
0x7b: {  	v5 =	vld [tilespmem:s15+$0xD40]  }
0x7c: {  	v9 =	vld [tilespmem:s15+$0xD60]  }
0x7d: {  	[tilespmem:s15+$0x8890] =	vst v14;
	v14 =	vld [tilespmem:s15+$0x8B0]  }
0x7e: {  	v19 =	vld.idx.msk [tilespmem:v19+s2+$0x0], $0xffff  }
0x7f: {  	[tilespmem:s16+$0x8080] =	vst v13;
	v13 =	vld [tilespmem:s16+$0xA0]  }
0x80: {  	v0 =	vld [tilespmem:s15+$0x970]  }
0x81: {  	v23 =	vld.idx.msk [tilespmem:v23+s2+$0x0], $0xffff  }
0x82: {  	v16 =	vld.idx.msk [tilespmem:v16+s2+$0x0], $0xffff  }
0x83: {  	[tilespmem:s15+$0x88A0] =	vst v19;
	v19 =	vld [tilespmem:s15+$0x8C0]  }
0x84: {  	v1 =	vld [tilespmem:s15+$0xD00]  }
0x85: {  	v14 =	vld.idx.msk [tilespmem:v14+s2+$0x0], $0xffff  }
0x86: {  	[tilespmem:s16+$0x8090] =	vst v23;
	v23 =	vld [tilespmem:s16+$0xB0]  }
0x87: {  	[tilespmem:s15+$0x8560] =	vst v16;
	v13 =	vld.idx.msk [tilespmem:v13+s2+$0x0], $0xffff  }
0x88: {  	v17 =	vld.idx.msk [tilespmem:v17+s2+$0x0], $0xffff  }
0x89: {  	v4 =	vld [tilespmem:s15+$0xD30]  }
0x8a: {  	[tilespmem:s15+$0x88B0] =	vst v14;
	v14 =	vld [tilespmem:s15+$0x8D0]  }
0x8b: {  	v16 =	vld.idx.msk [tilespmem:v19+s2+$0x0], $0xffff  }
0x8c: {  	[tilespmem:s16+$0x80A0] =	vst v13;
	v13 =	vld [tilespmem:s16+$0xC0]  }
0x8d: {  	v19 =	vld.idx.msk [tilespmem:v24+s2+$0x0], $0xffff  }
0x8e: {  	v7 =	vld [tilespmem:s15+$0xD50]  }
0x8f: {  	v23 =	vld.idx.msk [tilespmem:v23+s2+$0x0], $0xffff  }
0x90: {  	[tilespmem:s15+$0x88C0] =	vst v16;
	v16 =	vld [tilespmem:s15+$0x8E0]  }
0x91: {  	v8 =	vld [tilespmem:s15+$0xD70]  }
0x92: {  	[tilespmem:s16+$0x8120] =	vst v19;
	v14 =	vld.idx.msk [tilespmem:v14+s2+$0x0], $0xffff  }
0x93: {  	v19 =	vld.idx.msk [tilespmem:v25+s2+$0x0], $0xffff  }
0x94: {  	[tilespmem:s16+$0x80B0] =	vst v23;
	v23 =	vld [tilespmem:s16+$0xD0]  }
0x95: {  	v13 =	vld.idx.msk [tilespmem:v13+s2+$0x0], $0xffff  }
0x96: {  	[tilespmem:s15+$0x8570] =	vst v17;
	v24 =	vld [tilespmem:s16+$0x170]  }
0x97: {  	v25 =	vld [tilespmem:s15+$0x8F0];
	[tilespmem:s15+$0x88D0] =	vst v14  }
0x98: {  	[tilespmem:s16+$0x8130] =	vst v19;
	v14 =	vld.idx.msk [tilespmem:v16+s2+$0x0], $0xffff  }
0x99: {  	v16 =	vld.idx.msk [tilespmem:v22+s2+$0x0], $0xffff  }
0x9a: {  	v17 =	vld [tilespmem:s16+$0x500]  }
0x9b: {  	v22 =	vld [tilespmem:s16+$0x510]  }
0x9c: {  	[tilespmem:s16+$0x80C0] =	vst v13;
	v13 =	vld [tilespmem:s16+$0xE0]  }
0x9d: {  	v19 =	vld.idx.msk [tilespmem:v23+s2+$0x0], $0xffff  }
0x9e: {  	v23 =	vld [tilespmem:s16+$0x520]  }
0x9f: {  	v27 =	vld [tilespmem:s16+$0x550]  }
0xa0: {  	v28 =	vld [tilespmem:s16+$0x560]  }
0xa1: {  	v29 =	vld [tilespmem:s16+$0x570]  }
0xa2: {  	v12 =	vld.idx.msk [tilespmem:v12+s2+$0x0], $0xffff  }
0xa3: {  	v30 =	vld [tilespmem:s16+$0x490]  }
0xa4: {  	v61 =	vld [tilespmem:s16+$0x8F0];
	[tilespmem:s15+$0x88E0] =	vst v14  }
0xa5: {  	[tilespmem:s16+$0x80D0] =	vst v19;
	v19 =	vld [tilespmem:s16+$0xF0]  }
0xa6: {  	[tilespmem:s16+$0x8140] =	vst v16;
	v14 =	vld.idx.msk [tilespmem:v25+s2+$0x0], $0xffff  }
0xa7: {  	v16 =	vld.idx.msk [tilespmem:v26+s2+$0x0], $0xffff  }
0xa8: {  	[tilespmem:s15+$0x8900] =	vst v12;
	v25 =	vld [tilespmem:s16+$0x530]  }
0xa9: {  	s20 =	sand.u32 $0x3, s20;
	v12 =	vld.idx.msk [tilespmem:v2+s2+$0x0], $0xffff  }
0xaa: {  	s20 =	sshll.u32 s20, $0x8;
	v26 =	vld [tilespmem:s16+$0x540]  }
0xab: {  	s20 =	sadd.s32 s20, s24;
	v2 =	vld [tilespmem:s16+$0x940]  }
0xac: {  	s17 =	sor.u32 $0xC00, s20;
	v13 =	vld.idx.msk [tilespmem:v13+s2+$0x0], $0xffff;
	[tilespmem:s15+$0x88F0] =	vst v14  }
0xad: {  	[tilespmem:s16+$0x8150] =	vst v16;
	v14 =	vld [tilespmem:s17+$0x80]  }
0xae: {  	[tilespmem:s15+$0x8910] =	vst v12;
	v16 =	vld.idx.msk [tilespmem:v21+s2+$0x0], $0xffff  }
0xaf: {  	v12 =	vld.idx.msk [tilespmem:v6+s2+$0x0], $0xffff  }
0xb0: {  	v6 =	vld [tilespmem:s16+$0x960]  }
0xb1: {  	[tilespmem:s16+$0x80E0] =	vst v13;
	v13 =	vld [tilespmem:s16+$0x480]  }
0xb2: {  	v21 =	vld.idx.msk [tilespmem:v19+s2+$0x0], $0xffff  }
0xb3: {  	v19 =	vld [tilespmem:s16+$0x900]  }
0xb4: {  	[tilespmem:s16+$0x8160] =	vst v16;
	v16 =	vld [tilespmem:s16+$0x910]  }
0xb5: {  	[tilespmem:s15+$0x8920] =	vst v12;
	v24 =	vld.idx.msk [tilespmem:v24+s2+$0x0], $0xffff  }
0xb6: {  	v12 =	vld.idx.msk [tilespmem:v11+s2+$0x0], $0xffff  }
0xb7: {  	v11 =	vld [tilespmem:s16+$0xD00]  }
0xb8: {  	[tilespmem:s16+$0x80F0] =	vst v21;
	v21 =	vld [tilespmem:s16+$0x920]  }
0xb9: {  	v14 =	vld.idx.msk [tilespmem:v14+s2+$0x0], $0xffff  }
0xba: {  	v13 =	vld.idx.msk [tilespmem:v13+s2+$0x0], $0xffff;
	[tilespmem:s16+$0x8170] =	vst v24  }
0xbb: {  	[tilespmem:s15+$0x8930] =	vst v12;
	v12 =	vld [tilespmem:s16+$0xD20]  }
0xbc: {  	v31 =	vld.idx.msk [tilespmem:v17+s2+$0x0], $0xffff  }
0xbd: {  	v17 =	vld [tilespmem:s16+$0x930]  }
0xbe: {  	s28 =	sor.u32 $0xC10, s20;
	[tilespmem:s17+$0x8080] =	vst v14;
	v14 =	vld [tilespmem:s16+$0x950]  }
0xbf: {  	s31 =	simm.s32 $0x200;
	s21 =	sadd.s32 $0x400, s19;
	v24 =	vld [tilespmem:s28+$0x80]  }
0xc0: {  	s23 =	sand.u32 $0x7000, s21;
	s17 =	sand.u32 $0x300, s31;
	[tilespmem:s16+$0x8480] =	vst v13;
	v13 =	vld [tilespmem:s16+$0x4A0]  }
0xc1: {  	s17 =	sor.u32 s17, s23;
	v30 =	vld.idx.msk [tilespmem:v30+s2+$0x0], $0xffff  }
0xc2: {  	v32 =	vld [tilespmem:s17+$0x130]  }
0xc3: {  	v33 =	vld [tilespmem:s17+$0x150]  }
0xc4: {  	v34 =	vld [tilespmem:s17+$0x160]  }
0xc5: {  	v35 =	vld [tilespmem:s17+$0x510]  }
0xc6: {  	v36 =	vld [tilespmem:s17+$0x520]  }
0xc7: {  	v62 =	vld [tilespmem:s17+$0x540]  }
0xc8: {  	v63 =	vld [tilespmem:s17+$0x550]  }
0xc9: {  	v37 =	vld [tilespmem:s17+$0x560]  }
0xca: {  	v38 =	vld [tilespmem:s17+$0x570]  }
0xcb: {  	v39 =	vld [tilespmem:s17+$0x480]  }
0xcc: {  	v42 =	vld [tilespmem:s17+$0x490]  }
0xcd: {  	v43 =	vld [tilespmem:s17+$0x4A0];
	[tilespmem:s16+$0x8500] =	vst v31  }
0xce: {  	v22 =	vld.idx.msk [tilespmem:v22+s2+$0x0], $0xffff  }
0xcf: {  	[tilespmem:s16+$0x8490] =	vst v30;
	v30 =	vld [tilespmem:s16+$0x4B0]  }
0xd0: {  	v24 =	vld.idx.msk [tilespmem:v24+s2+$0x0], $0xffff  }
0xd1: {  	v31 =	vld.idx.msk [tilespmem:v13+s2+$0x0], $0xffff  }
0xd2: {  	v44 =	vld [tilespmem:s17+$0x4B0]  }
0xd3: {  	v46 =	vld [tilespmem:s17+$0x4C0];
	[tilespmem:s16+$0x8510] =	vst v22  }
0xd4: {  	v23 =	vld.idx.msk [tilespmem:v23+s2+$0x0], $0xffff  }
0xd5: {  	[tilespmem:s28+$0x8080] =	vst v24;
	v24 =	vld [tilespmem:s16+$0x4C0]  }
0xd6: {  	s29 =	sor.u32 $0xC20, s20;
	[tilespmem:s16+$0x84A0] =	vst v31;
	v31 =	vld.idx.msk [tilespmem:v10+s2+$0x0], $0xffff  }
0xd7: {  	v22 =	vld [tilespmem:s29+$0x80]  }
0xd8: {  	v30 =	vld.idx.msk [tilespmem:v30+s2+$0x0], $0xffff  }
0xd9: {  	v47 =	vld [tilespmem:s17+$0x4E0]  }
0xda: {  	v48 =	vld [tilespmem:s17+$0x4F0]  }
0xdb: {  	v59 =	vld [tilespmem:s17+$0x8F0];
	[tilespmem:s16+$0x8520] =	vst v23  }
0xdc: {  	v23 =	vld.idx.msk [tilespmem:v25+s2+$0x0], $0xffff;
	[tilespmem:s15+$0x8940] =	vst v31  }
0xdd: {  	[tilespmem:s16+$0x84B0] =	vst v30;
	v30 =	vld [tilespmem:s16+$0x4D0]  }
0xde: {  	v25 =	vld.idx.msk [tilespmem:v18+s2+$0x0], $0xffff  }
0xdf: {  	v22 =	vld.idx.msk [tilespmem:v22+s2+$0x0], $0xffff  }
0xe0: {  	v24 =	vld.idx.msk [tilespmem:v24+s2+$0x0], $0xffff  }
0xe1: {  	v13 =	vld [tilespmem:s16+$0x970]  }
0xe2: {  	v31 =	vld [tilespmem:s16+$0x4E0];
	[tilespmem:s16+$0x8530] =	vst v23  }
0xe3: {  	v23 =	vld.idx.msk [tilespmem:v26+s2+$0x0], $0xffff;
	[tilespmem:s15+$0x8950] =	vst v25  }
0xe4: {  	s30 =	sor.u32 $0xC30, s20;
	v20 =	vld.idx.msk [tilespmem:v20+s2+$0x0], $0xffff;
	[tilespmem:s29+$0x8080] =	vst v22  }
0xe5: {  	[tilespmem:s16+$0x84C0] =	vst v24;
	v22 =	vld [tilespmem:s30+$0x80]  }
0xe6: {  	v30 =	vld.idx.msk [tilespmem:v30+s2+$0x0], $0xffff  }
0xe7: {  	v10 =	vld [tilespmem:s16+$0xD10]  }
0xe8: {  	v25 =	vld [tilespmem:s16+$0x4F0];
	[tilespmem:s16+$0x8540] =	vst v23  }
0xe9: {  	[tilespmem:s15+$0x8960] =	vst v20;
	v20 =	vld.idx.msk [tilespmem:v27+s2+$0x0], $0xffff  }
0xea: {  	v27 =	vld.idx.msk [tilespmem:v0+s2+$0x0], $0xffff  }
0xeb: {  	v18 =	vld [tilespmem:s16+$0xD30];
	[tilespmem:s16+$0x84D0] =	vst v30  }
0xec: {  	v26 =	vld.idx.msk [tilespmem:v31+s2+$0x0], $0xffff  }
0xed: {  	v22 =	vld.idx.msk [tilespmem:v22+s2+$0x0], $0xffff  }
0xee: {  	v24 =	vld [tilespmem:s16+$0xD40]  }
0xef: {  	v23 =	vld [tilespmem:s16+$0xD50];
	[tilespmem:s15+$0x8970] =	vst v27  }
0xf0: {  	v27 =	vld.idx.msk [tilespmem:v1+s2+$0x0], $0xffff  }
0xf1: {  	[tilespmem:s16+$0x84E0] =	vst v26;
	v26 =	vld [tilespmem:s16+$0x880]  }
0xf2: {  	s22 =	sor.u32 $0xC40, s20;
	v25 =	vld.idx.msk [tilespmem:v25+s2+$0x0], $0xffff;
	[tilespmem:s30+$0x8080] =	vst v22  }
0xf3: {  	[tilespmem:s16+$0x8550] =	vst v20;
	v22 =	vld [tilespmem:s22+$0x80]  }
0xf4: {  	v20 =	vld.idx.msk [tilespmem:v28+s2+$0x0], $0xffff  }
0xf5: {  	v0 =	vld [tilespmem:s16+$0xD60]  }
0xf6: {  	v30 =	vld [tilespmem:s17+$0x120]  }
0xf7: {  	[tilespmem:s15+$0x8D00] =	vst v27;
	v27 =	vld [tilespmem:s17+$0x100]  }
0xf8: {  	[tilespmem:s16+$0x84F0] =	vst v25;
	v25 =	vld [tilespmem:s16+$0x890]  }
0xf9: {  	[tilespmem:s16+$0x8560] =	vst v20;
	v20 =	vld.idx.msk [tilespmem:v26+s2+$0x0], $0xffff  }
0xfa: {  	v26 =	vld.idx.msk [tilespmem:v29+s2+$0x0], $0xffff  }
0xfb: {  	v22 =	vld.idx.msk [tilespmem:v22+s2+$0x0], $0xffff  }
0xfc: {  	v29 =	vld.idx.msk [tilespmem:v15+s2+$0x0], $0xffff  }
0xfd: {  	v15 =	vld [tilespmem:s17+$0x80]  }
0xfe: {  	v31 =	vld [tilespmem:s17+$0x90]  }
0xff: {  	[tilespmem:s16+$0x8880] =	vst v20;
	v20 =	vld [tilespmem:s16+$0x8A0]  }
0x100: {  	s24 =	sor.u32 $0xC50, s20;
	v25 =	vld.idx.msk [tilespmem:v25+s2+$0x0], $0xffff;
	[tilespmem:s22+$0x8080] =	vst v22  }
0x101: {  	v22 =	vld [tilespmem:s24+$0x80]  }
0x102: {  	v28 =	vld [tilespmem:s17+$0x110]  }
0x103: {  	v1 =	vld [tilespmem:s16+$0xD70]  }
0x104: {  	v27 =	vld.idx.msk [tilespmem:v27+s2+$0x0], $0xffff  }
0x105: {  	v15 =	vld.idx.msk [tilespmem:v15+s2+$0x0], $0xffff  }
0x106: {  	[tilespmem:s16+$0x8890] =	vst v25;
	v25 =	vld [tilespmem:s16+$0x8B0]  }
0x107: {  	[tilespmem:s15+$0x8D10] =	vst v29;
	v29 =	vld [tilespmem:s17+$0x4D0]  }
0x108: {  	v20 =	vld.idx.msk [tilespmem:v20+s2+$0x0], $0xffff  }
0x109: {  	[tilespmem:s16+$0x8570] =	vst v26;
	v22 =	vld.idx.msk [tilespmem:v22+s2+$0x0], $0xffff  }
0x10a: {  	v26 =	vld.idx.msk [tilespmem:v19+s2+$0x0], $0xffff  }
0x10b: {  	[tilespmem:s17+$0x8080] =	vst v15;
	v15 =	vld [tilespmem:s17+$0xA0]  }
0x10c: {  	v31 =	vld.idx.msk [tilespmem:v31+s2+$0x0], $0xffff  }
0x10d: {  	[tilespmem:s16+$0x88A0] =	vst v20;
	v20 =	vld [tilespmem:s16+$0x8C0]  }
0x10e: {  	s25 =	sor.u32 $0xC60, s20;
	v25 =	vld.idx.msk [tilespmem:v25+s2+$0x0], $0xffff;
	[tilespmem:s24+$0x8080] =	vst v22  }
0x10f: {  	v22 =	vld [tilespmem:s25+$0x80]  }
0x110: {  	v19 =	vld [tilespmem:s17+$0x920];
	[tilespmem:s17+$0x8100] =	vst v27  }
0x111: {  	v27 =	vld.idx.msk [tilespmem:v28+s2+$0x0], $0xffff  }
0x112: {  	[tilespmem:s17+$0x8090] =	vst v31;
	v31 =	vld [tilespmem:s17+$0xB0]  }
0x113: {  	v15 =	vld.idx.msk [tilespmem:v15+s2+$0x0], $0xffff  }
0x114: {  	[tilespmem:s16+$0x88B0] =	vst v25;
	v25 =	vld [tilespmem:s16+$0x8D0]  }
0x115: {  	[tilespmem:s16+$0x8900] =	vst v26;
	v20 =	vld.idx.msk [tilespmem:v20+s2+$0x0], $0xffff  }
0x116: {  	v26 =	vld.idx.msk [tilespmem:v16+s2+$0x0], $0xffff  }
0x117: {  	[tilespmem:s17+$0x8110] =	vst v27;
	v22 =	vld.idx.msk [tilespmem:v22+s2+$0x0], $0xffff  }
0x118: {  	v27 =	vld.idx.msk [tilespmem:v30+s2+$0x0], $0xffff  }
0x119: {  	[tilespmem:s17+$0x80A0] =	vst v15;
	v15 =	vld [tilespmem:s17+$0xC0]  }
0x11a: {  	[tilespmem:s16+$0x88C0] =	vst v20;
	v20 =	vld [tilespmem:s16+$0x8E0]  }
0x11b: {  	v31 =	vld.idx.msk [tilespmem:v31+s2+$0x0], $0xffff  }
0x11c: {  	[tilespmem:s25+$0x8080] =	vst v22;
	v22 =	vld.idx.msk [tilespmem:v25+s2+$0x0], $0xffff  }
0x11d: {  	v28 =	vld [tilespmem:s17+$0x140]  }
0x11e: {  	v16 =	vld [tilespmem:s17+$0x940];
	[tilespmem:s17+$0x8120] =	vst v27  }
0x11f: {  	[tilespmem:s16+$0x8910] =	vst v26;
	v25 =	vld.idx.msk [tilespmem:v32+s2+$0x0], $0xffff  }
0x120: {  	v26 =	vld.idx.msk [tilespmem:v21+s2+$0x0], $0xffff;
	[tilespmem:s17+$0x80B0] =	vst v31  }
0x121: {  	v31 =	vld [tilespmem:s17+$0xD0];
	[tilespmem:s16+$0x88D0] =	vst v22  }
0x122: {  	v20 =	vld.idx.msk [tilespmem:v20+s2+$0x0], $0xffff  }
0x123: {  	v21 =	vld [tilespmem:s17+$0x960]  }
0x124: {  	v15 =	vld.idx.msk [tilespmem:v15+s2+$0x0], $0xffff;
	[tilespmem:s17+$0x8130] =	vst v25  }
0x125: {  	v22 =	vld.idx.msk [tilespmem:v28+s2+$0x0], $0xffff  }
0x126: {  	v27 =	vld [tilespmem:s17+$0x170];
	[tilespmem:s16+$0x8920] =	vst v26  }
0x127: {  	v17 =	vld.idx.msk [tilespmem:v17+s2+$0x0], $0xffff;
	[tilespmem:s16+$0x88E0] =	vst v20  }
0x128: {  	v20 =	vld.idx.msk [tilespmem:v61+s2+$0x0], $0xffff  }
0x129: {  	s26 =	simm.s32 $0x1;
	[tilespmem:s17+$0x80C0] =	vst v15;
	v15 =	vld [tilespmem:s17+$0xE0]  }
0x12a: {  	s23 =	sor.u32 $0xC70, s20;
	s20 =	sand.u32 $0x3, s26;
	v28 =	vld.idx.msk [tilespmem:v31+s2+$0x0], $0xffff;
	[tilespmem:s17+$0x8140] =	vst v22  }
0x12b: {  	s20 =	sshll.u32 s20, $0x8;
	v22 =	vld.idx.msk [tilespmem:v33+s2+$0x0], $0xffff  }
0x12c: {  	s22 =	sadd.s32 s20, s19;
	v26 =	vld [tilespmem:s17+$0xD00];
	[tilespmem:s16+$0x8930] =	vst v17  }
0x12d: {  	s19 =	sor.u32 $0xC00, s22;
	v17 =	vld.idx.msk [tilespmem:v2+s2+$0x0], $0xffff;
	[tilespmem:s16+$0x88F0] =	vst v20  }
0x12e: {  	v20 =	vld [tilespmem:s19+$0x80]  }
0x12f: {  	v2 =	vld [tilespmem:s17+$0xD20];
	[tilespmem:s17+$0x80D0] =	vst v28  }
0x130: {  	v28 =	vld [tilespmem:s17+$0xF0];
	[tilespmem:s17+$0x8150] =	vst v22  }
0x131: {  	v34 =	vld.idx.msk [tilespmem:v34+s2+$0x0], $0xffff  }
0x132: {  	v15 =	vld.idx.msk [tilespmem:v15+s2+$0x0], $0xffff  }
0x133: {  	[tilespmem:s16+$0x8940] =	vst v17;
	v17 =	vld.idx.msk [tilespmem:v3+s2+$0x0], $0xffff  }
0x134: {  	v14 =	vld.idx.msk [tilespmem:v14+s2+$0x0], $0xffff  }
0x135: {  	v25 =	vld [tilespmem:s17+$0x500]  }
0x136: {  	[tilespmem:s17+$0x8160] =	vst v34;
	v20 =	vld.idx.msk [tilespmem:v20+s2+$0x0], $0xffff  }
0x137: {  	[tilespmem:s17+$0x80E0] =	vst v15;
	v27 =	vld.idx.msk [tilespmem:v27+s2+$0x0], $0xffff  }
0x138: {  	v28 =	vld.idx.msk [tilespmem:v28+s2+$0x0], $0xffff  }
0x139: {  	v3 =	vld [tilespmem:s17+$0xD30];
	[tilespmem:s15+$0x8D20] =	vst v17  }
0x13a: {  	v30 =	vld [tilespmem:s23+$0x80];
	[tilespmem:s16+$0x8950] =	vst v14  }
0x13b: {  	s28 =	sor.u32 $0xC10, s22;
	v17 =	vld.idx.msk [tilespmem:v4+s2+$0x0], $0xffff;
	[tilespmem:s19+$0x8080] =	vst v20  }
0x13c: {  	[tilespmem:s17+$0x8170] =	vst v27;
	v27 =	vld [tilespmem:s28+$0x80]  }
0x13d: {  	v14 =	vld.idx.msk [tilespmem:v6+s2+$0x0], $0xffff;
	[tilespmem:s17+$0x80F0] =	vst v28  }
0x13e: {  	v39 =	vld.idx.msk [tilespmem:v39+s2+$0x0], $0xffff  }
0x13f: {  	v25 =	vld.idx.msk [tilespmem:v25+s2+$0x0], $0xffff  }
0x140: {  	v4 =	vld [tilespmem:s17+$0xD50]  }
0x141: {  	v6 =	vld [tilespmem:s17+$0xD40]  }
0x142: {  	v31 =	vld [tilespmem:s17+$0x530];
	[tilespmem:s16+$0x8960] =	vst v14  }
0x143: {  	v13 =	vld.idx.msk [tilespmem:v13+s2+$0x0], $0xffff;
	[tilespmem:s17+$0x8480] =	vst v39  }
0x144: {  	[tilespmem:s17+$0x8500] =	vst v25;
	v25 =	vld.idx.msk [tilespmem:v27+s2+$0x0], $0xffff  }
0x145: {  	[tilespmem:s15+$0x8D30] =	vst v17;
	v34 =	vld.idx.msk [tilespmem:v42+s2+$0x0], $0xffff  }
0x146: {  	v17 =	vld.idx.msk [tilespmem:v5+s2+$0x0], $0xffff  }
0x147: {  	v35 =	vld.idx.msk [tilespmem:v35+s2+$0x0], $0xffff  }
0x148: {  	v5 =	vld [tilespmem:s17+$0xD60];
	[tilespmem:s16+$0x8970] =	vst v13  }
0x149: {  	s29 =	sor.u32 $0xC20, s22;
	v13 =	vld [tilespmem:s17+$0x880];
	[tilespmem:s28+$0x8080] =	vst v25  }
0x14a: {  	[tilespmem:s17+$0x8490] =	vst v34;
	v45 =	vld [tilespmem:s29+$0x80]  }
0x14b: {  	v39 =	vld.idx.msk [tilespmem:v43+s2+$0x0], $0xffff  }
0x14c: {  	v22 =	vld [tilespmem:s17+$0x900];
	[tilespmem:s17+$0x8510] =	vst v35  }
0x14d: {  	v36 =	vld.idx.msk [tilespmem:v36+s2+$0x0], $0xffff  }
0x14e: {  	v15 =	vld [tilespmem:s17+$0x910]  }
0x14f: {  	v11 =	vld.idx.msk [tilespmem:v11+s2+$0x0], $0xffff  }
0x150: {  	v28 =	vld [tilespmem:s17+$0x950];
	[tilespmem:s17+$0x84A0] =	vst v39  }
0x151: {  	v34 =	vld.idx.msk [tilespmem:v44+s2+$0x0], $0xffff  }
0x152: {  	s31 =	simm.s32 $0x300;
	s20 =	sadd.s32 $0x400, s21;
	[tilespmem:s17+$0x8520] =	vst v36;
	v35 =	vld.idx.msk [tilespmem:v45+s2+$0x0], $0xffff  }
0x153: {  	s25 =	sand.u32 $0x7000, s20;
	s19 =	sand.u32 $0x300, s31;
	v31 =	vld.idx.msk [tilespmem:v31+s2+$0x0], $0xffff  }
0x154: {  	v20 =	vld [tilespmem:s17+$0x930];
	s19 =	sor.u32 s19, s25  }
0x155: {  	v50 =	vld [tilespmem:s19+$0x110]  }
0x156: {  	v51 =	vld [tilespmem:s19+$0x120];
	[tilespmem:s17+$0x84B0] =	vst v34  }
0x157: {  	s30 =	sor.u32 $0xC30, s22;
	v52 =	vld [tilespmem:s19+$0x90];
	[tilespmem:s29+$0x8080] =	vst v35  }
0x158: {  	[tilespmem:s17+$0x8530] =	vst v31;
	v31 =	vld [tilespmem:s30+$0x80]  }
0x159: {  	v34 =	vld.idx.msk [tilespmem:v46+s2+$0x0], $0xffff  }
0x15a: {  	v53 =	vld [tilespmem:s19+$0x130]  }
0x15b: {  	v54 =	vld [tilespmem:s19+$0x140]  }
0x15c: {  	v55 =	vld [tilespmem:s19+$0x150]  }
0x15d: {  	v32 =	vld.idx.msk [tilespmem:v62+s2+$0x0], $0xffff  }
0x15e: {  	v56 =	vld [tilespmem:s19+$0xB0];
	[tilespmem:s17+$0x84C0] =	vst v34  }
0x15f: {  	v29 =	vld.idx.msk [tilespmem:v29+s2+$0x0], $0xffff  }
0x160: {  	v31 =	vld.idx.msk [tilespmem:v31+s2+$0x0], $0xffff  }
0x161: {  	v57 =	vld [tilespmem:s19+$0x160]  }
0x162: {  	v58 =	vld [tilespmem:s19+$0x170];
	[tilespmem:s17+$0x8540] =	vst v32  }
0x163: {  	v14 =	vld.idx.msk [tilespmem:v63+s2+$0x0], $0xffff  }
0x164: {  	v60 =	vld [tilespmem:s19+$0xD0];
	[tilespmem:s17+$0x84D0] =	vst v29  }
0x165: {  	s24 =	sor.u32 $0xC40, s22;
	v49 =	vld.idx.msk [tilespmem:v47+s2+$0x0], $0xffff;
	[tilespmem:s30+$0x8080] =	vst v31  }
0x166: {  	v31 =	vld [tilespmem:s24+$0x80]  }
0x167: {  	v61 =	vld [tilespmem:s19+$0x510]  }
0x168: {  	v40 =	vld [tilespmem:s19+$0xF0];
	[tilespmem:s17+$0x8550] =	vst v14  }
0x169: {  	v14 =	vld.idx.msk [tilespmem:v37+s2+$0x0], $0xffff  }
0x16a: {  	v41 =	vld [tilespmem:s19+$0x570];
	[tilespmem:s17+$0x84E0] =	vst v49  }
0x16b: {  	[tilespmem:s15+$0x8D40] =	vst v17;
	v17 =	vld.idx.msk [tilespmem:v48+s2+$0x0], $0xffff  }
0x16c: {  	v29 =	vld.idx.msk [tilespmem:v30+s2+$0x0], $0xffff  }
0x16d: {  	[tilespmem:s16+$0x8D00] =	vst v11;
	v30 =	vld.idx.msk [tilespmem:v7+s2+$0x0], $0xffff  }
0x16e: {  	[tilespmem:s17+$0x8560] =	vst v14;
	v14 =	vld.idx.msk [tilespmem:v31+s2+$0x0], $0xffff  }
0x16f: {  	v31 =	vld.idx.msk [tilespmem:v10+s2+$0x0], $0xffff  }
0x170: {  	[tilespmem:s17+$0x84F0] =	vst v17;
	v10 =	vld [tilespmem:s17+$0x890]  }
0x171: {  	v13 =	vld.idx.msk [tilespmem:v13+s2+$0x0], $0xffff  }
0x172: {  	v42 =	vld [tilespmem:s19+$0x480]  }
0x173: {  	v27 =	vld [tilespmem:s17+$0x970]  }
0x174: {  	v25 =	vld [tilespmem:s17+$0xD10]  }
0x175: {  	v46 =	vld [tilespmem:s19+$0x550];
	[tilespmem:s15+$0x8D50] =	vst v30  }
0x176: {  	[tilespmem:s17+$0x8880] =	vst v13;
	v13 =	vld [tilespmem:s17+$0x8A0]  }
0x177: {  	v30 =	vld.idx.msk [tilespmem:v9+s2+$0x0], $0xffff  }
0x178: {  	v10 =	vld.idx.msk [tilespmem:v10+s2+$0x0], $0xffff  }
0x179: {  	v9 =	vld [tilespmem:s19+$0x80]  }
0x17a: {  	v17 =	vld [tilespmem:s19+$0x100]  }
0x17b: {  	v62 =	vld [tilespmem:s19+$0x520]  }
0x17c: {  	v45 =	vld [tilespmem:s19+$0x540]  }
0x17d: {  	[tilespmem:s17+$0x8890] =	vst v10;
	v10 =	vld [tilespmem:s17+$0x8B0]  }
0x17e: {  	v13 =	vld.idx.msk [tilespmem:v13+s2+$0x0], $0xffff  }
0x17f: {  	v7 =	vld [tilespmem:s17+$0xD70]  }
0x180: {  	v63 =	vld [tilespmem:s19+$0x530]  }
0x181: {  	v9 =	vld.idx.msk [tilespmem:v9+s2+$0x0], $0xffff  }
0x182: {  	v17 =	vld.idx.msk [tilespmem:v17+s2+$0x0], $0xffff  }
0x183: {  	[tilespmem:s17+$0x88A0] =	vst v13;
	v13 =	vld [tilespmem:s17+$0x8C0]  }
0x184: {  	v47 =	vld [tilespmem:s19+$0x560]  }
0x185: {  	v10 =	vld.idx.msk [tilespmem:v10+s2+$0x0], $0xffff  }
0x186: {  	[tilespmem:s19+$0x8080] =	vst v9;
	v9 =	vld [tilespmem:s19+$0xA0]  }
0x187: {  	v11 =	vld.idx.msk [tilespmem:v38+s2+$0x0], $0xffff  }
0x188: {  	v34 =	vld.idx.msk [tilespmem:v52+s2+$0x0], $0xffff;
	[tilespmem:s19+$0x8100] =	vst v17  }
0x189: {  	v17 =	vld.idx.msk [tilespmem:v50+s2+$0x0], $0xffff  }
0x18a: {  	[tilespmem:s17+$0x88B0] =	vst v10;
	v10 =	vld [tilespmem:s17+$0x8D0]  }
0x18b: {  	s25 =	sor.u32 $0xC50, s22;
	[tilespmem:s24+$0x8080] =	vst v14;
	v13 =	vld.idx.msk [tilespmem:v13+s2+$0x0], $0xffff  }
0x18c: {  	v14 =	vld [tilespmem:s25+$0x80]  }
0x18d: {  	v49 =	vld [tilespmem:s19+$0x490];
	[tilespmem:s19+$0x8090] =	vst v34  }
0x18e: {  	[tilespmem:s17+$0x8570] =	vst v11;
	v9 =	vld.idx.msk [tilespmem:v9+s2+$0x0], $0xffff  }
0x18f: {  	v11 =	vld.idx.msk [tilespmem:v22+s2+$0x0], $0xffff;
	[tilespmem:s19+$0x8110] =	vst v17  }
0x190: {  	[tilespmem:s17+$0x88C0] =	vst v13;
	v13 =	vld [tilespmem:s17+$0x8E0]  }
0x191: {  	v17 =	vld.idx.msk [tilespmem:v51+s2+$0x0], $0xffff  }
0x192: {  	v10 =	vld.idx.msk [tilespmem:v10+s2+$0x0], $0xffff  }
0x193: {  	[tilespmem:s19+$0x80A0] =	vst v9;
	v9 =	vld [tilespmem:s19+$0xC0]  }
0x194: {  	v14 =	vld.idx.msk [tilespmem:v14+s2+$0x0], $0xffff  }
0x195: {  	v32 =	vld.idx.msk [tilespmem:v56+s2+$0x0], $0xffff  }
0x196: {  	v22 =	vld [tilespmem:s19+$0x910];
	[tilespmem:s17+$0x8900] =	vst v11  }
0x197: {  	v11 =	vld [tilespmem:s19+$0x940];
	[tilespmem:s17+$0x88D0] =	vst v10  }
0x198: {  	[tilespmem:s19+$0x8120] =	vst v17;
	v10 =	vld.idx.msk [tilespmem:v13+s2+$0x0], $0xffff  }
0x199: {  	s26 =	sor.u32 $0xC60, s22;
	v17 =	vld.idx.msk [tilespmem:v53+s2+$0x0], $0xffff;
	[tilespmem:s25+$0x8080] =	vst v14  }
0x19a: {  	[tilespmem:s19+$0x80B0] =	vst v32;
	v14 =	vld [tilespmem:s26+$0x80]  }
0x19b: {  	v9 =	vld.idx.msk [tilespmem:v9+s2+$0x0], $0xffff  }
0x19c: {  	v48 =	vld.idx.msk [tilespmem:v15+s2+$0x0], $0xffff  }
0x19d: {  	v15 =	vld [tilespmem:s19+$0x930];
	[tilespmem:s17+$0x88E0] =	vst v10  }
0x19e: {  	v10 =	vld.idx.msk [tilespmem:v59+s2+$0x0], $0xffff  }
0x19f: {  	v50 =	vld [tilespmem:s19+$0x4A0];
	s24 =	sor.u32 $0xC70, s22;
	s22 =	simm.s32 $0x2;
	[tilespmem:s19+$0x8130] =	vst v17  }
0x1a0: {  	s28 =	sand.u32 $0x3, s22;
	[tilespmem:s19+$0x80C0] =	vst v9;
	v9 =	vld [tilespmem:s19+$0xE0]  }
0x1a1: {  	s25 =	sshll.u32 s28, $0x8;
	v13 =	vld.idx.msk [tilespmem:v54+s2+$0x0], $0xffff  }
0x1a2: {  	s21 =	sadd.s32 s25, s21;
	v14 =	vld.idx.msk [tilespmem:v14+s2+$0x0], $0xffff  }
0x1a3: {  	s25 =	sor.u32 $0xC00, s21;
	v17 =	vld.idx.msk [tilespmem:v60+s2+$0x0], $0xffff;
	[tilespmem:s17+$0x88F0] =	vst v10  }
0x1a4: {  	[tilespmem:s16+$0x8D10] =	vst v31;
	v10 =	vld [tilespmem:s25+$0x80]  }
0x1a5: {  	v31 =	vld.idx.msk [tilespmem:v12+s2+$0x0], $0xffff  }
0x1a6: {  	v12 =	vld [tilespmem:s19+$0xD30];
	[tilespmem:s19+$0x8140] =	vst v13  }
0x1a7: {  	[tilespmem:s26+$0x8080] =	vst v14;
	v13 =	vld.idx.msk [tilespmem:v55+s2+$0x0], $0xffff  }
0x1a8: {  	[tilespmem:s19+$0x80D0] =	vst v17;
	v14 =	vld [tilespmem:s24+$0x80]  }
0x1a9: {  	[tilespmem:s17+$0x8910] =	vst v48;
	v9 =	vld.idx.msk [tilespmem:v9+s2+$0x0], $0xffff  }
0x1aa: {  	v34 =	vld.idx.msk [tilespmem:v19+s2+$0x0], $0xffff  }
0x1ab: {  	v19 =	vld [tilespmem:s19+$0x960]  }
0x1ac: {  	[tilespmem:s19+$0x8150] =	vst v13;
	v10 =	vld.idx.msk [tilespmem:v10+s2+$0x0], $0xffff  }
0x1ad: {  	v13 =	vld.idx.msk [tilespmem:v57+s2+$0x0], $0xffff  }
0x1ae: {  	v51 =	vld [tilespmem:s19+$0x4B0];
	[tilespmem:s19+$0x80E0] =	vst v9  }
0x1af: {  	v40 =	vld.idx.msk [tilespmem:v40+s2+$0x0], $0xffff  }
0x1b0: {  	v32 =	vld.idx.msk [tilespmem:v14+s2+$0x0], $0xffff  }
0x1b1: {  	s29 =	sor.u32 $0xC10, s21;
	v14 =	vld [tilespmem:s19+$0x500];
	[tilespmem:s25+$0x8080] =	vst v10  }
0x1b2: {  	[tilespmem:s19+$0x8160] =	vst v13;
	v10 =	vld [tilespmem:s29+$0x80]  }
0x1b3: {  	[tilespmem:s16+$0x8D20] =	vst v31;
	v13 =	vld.idx.msk [tilespmem:v58+s2+$0x0], $0xffff  }
0x1b4: {  	v31 =	vld.idx.msk [tilespmem:v18+s2+$0x0], $0xffff  }
0x1b5: {  	v18 =	vld [tilespmem:s19+$0xD50];
	[tilespmem:s17+$0x8920] =	vst v34  }
0x1b6: {  	v34 =	vld.idx.msk [tilespmem:v20+s2+$0x0], $0xffff;
	[tilespmem:s19+$0x80F0] =	vst v40  }
0x1b7: {  	v42 =	vld.idx.msk [tilespmem:v42+s2+$0x0], $0xffff  }
0x1b8: {  	v20 =	vld [tilespmem:s19+$0xD00];
	[tilespmem:s19+$0x8170] =	vst v13  }
0x1b9: {  	v14 =	vld.idx.msk [tilespmem:v14+s2+$0x0], $0xffff  }
0x1ba: {  	v10 =	vld.idx.msk [tilespmem:v10+s2+$0x0], $0xffff  }
0x1bb: {  	v53 =	vld [tilespmem:s19+$0x4C0];
	[tilespmem:s16+$0x8D30] =	vst v31  }
0x1bc: {  	v31 =	vld.idx.msk [tilespmem:v24+s2+$0x0], $0xffff;
	[tilespmem:s19+$0x8480] =	vst v42  }
0x1bd: {  	[tilespmem:s17+$0x8930] =	vst v34;
	v40 =	vld.idx.msk [tilespmem:v49+s2+$0x0], $0xffff  }
0x1be: {  	v34 =	vld.idx.msk [tilespmem:v16+s2+$0x0], $0xffff;
	[tilespmem:s19+$0x8500] =	vst v14  }
0x1bf: {  	s30 =	sor.u32 $0xC20, s21;
	v36 =	vld.idx.msk [tilespmem:v61+s2+$0x0], $0xffff;
	[tilespmem:s29+$0x8080] =	vst v10  }
0x1c0: {  	v52 =	vld [tilespmem:s30+$0x80]  }
0x1c1: {  	v24 =	vld [tilespmem:s19+$0xD60]  }
0x1c2: {  	v16 =	vld [tilespmem:s19+$0xD10];
	[tilespmem:s19+$0x8490] =	vst v40  }
0x1c3: {  	[tilespmem:s16+$0x8D40] =	vst v31;
	v42 =	vld.idx.msk [tilespmem:v50+s2+$0x0], $0xffff  }
0x1c4: {  	v31 =	vld [tilespmem:s19+$0x880];
	[tilespmem:s19+$0x8510] =	vst v36  }
0x1c5: {  	[tilespmem:s17+$0x8940] =	vst v34;
	v39 =	vld.idx.msk [tilespmem:v62+s2+$0x0], $0xffff  }
0x1c6: {  	v28 =	vld.idx.msk [tilespmem:v28+s2+$0x0], $0xffff  }
0x1c7: {  	v17 =	vld [tilespmem:s19+$0x900]  }
0x1c8: {  	[tilespmem:s19+$0x84A0] =	vst v42;
	v36 =	vld.idx.msk [tilespmem:v52+s2+$0x0], $0xffff  }
0x1c9: {  	v40 =	vld.idx.msk [tilespmem:v51+s2+$0x0], $0xffff  }
0x1ca: {  	v9 =	vld [tilespmem:s19+$0x920];
	[tilespmem:s19+$0x8520] =	vst v39  }
0x1cb: {  	v54 =	vld.idx.msk [tilespmem:v63+s2+$0x0], $0xffff  }
0x1cc: {  	[tilespmem:s17+$0x8950] =	vst v28;
	v55 =	vld [tilespmem:s19+$0x4D0]  }
0x1cd: {  	s31 =	sor.u32 $0xC30, s21;
	v58 =	vld.idx.msk [tilespmem:v21+s2+$0x0], $0xffff;
	[tilespmem:s30+$0x8080] =	vst v36  }
0x1ce: {  	[tilespmem:s19+$0x84B0] =	vst v40;
	v57 =	vld [tilespmem:s31+$0x80]  }
0x1cf: {  	v56 =	vld.idx.msk [tilespmem:v53+s2+$0x0], $0xffff  }
0x1d0: {  	v59 =	vld [tilespmem:s19+$0x4E0];
	[tilespmem:s19+$0x8530] =	vst v54  }
0x1d1: {  	v28 =	vld.idx.msk [tilespmem:v45+s2+$0x0], $0xffff  }
0x1d2: {  	v21 =	vld [tilespmem:s19+$0xD40]  }
0x1d3: {  	v13 =	vld [tilespmem:s19+$0x950];
	[tilespmem:s17+$0x8960] =	vst v58  }
0x1d4: {  	v27 =	vld.idx.msk [tilespmem:v27+s2+$0x0], $0xffff;
	[tilespmem:s19+$0x84C0] =	vst v56  }
0x1d5: {  	v35 =	vld.idx.msk [tilespmem:v55+s2+$0x0], $0xffff  }
0x1d6: {  	[tilespmem:s19+$0x8540] =	vst v28;
	v28 =	vld.idx.msk [tilespmem:v57+s2+$0x0], $0xffff  }
0x1d7: {  	v14 =	vld [tilespmem:s19+$0x970]  }
0x1d8: {  	v61 =	vld [tilespmem:s19+$0x4F0]  }
0x1d9: {  	[tilespmem:s17+$0x8970] =	vst v27;
	v60 =	vld.idx.msk [tilespmem:v46+s2+$0x0], $0xffff  }
0x1da: {  	v62 =	vld.idx.msk [tilespmem:v26+s2+$0x0], $0xffff;
	[tilespmem:s19+$0x84D0] =	vst v35  }
0x1db: {  	s26 =	sor.u32 $0xC40, s21;
	v36 =	vld.idx.msk [tilespmem:v59+s2+$0x0], $0xffff;
	[tilespmem:s31+$0x8080] =	vst v28  }
0x1dc: {  	[tilespmem:s15+$0x8D60] =	vst v30;
	v28 =	vld [tilespmem:s26+$0x80]  }
0x1dd: {  	v26 =	vld.idx.msk [tilespmem:v8+s2+$0x0], $0xffff  }
0x1de: {  	v10 =	vld [tilespmem:s19+$0xD20];
	[tilespmem:s19+$0x8550] =	vst v60  }
0x1df: {  	v33 =	vld.idx.msk [tilespmem:v47+s2+$0x0], $0xffff  }
0x1e0: {  	v63 =	vld.idx.msk [tilespmem:v23+s2+$0x0], $0xffff;
	[tilespmem:s19+$0x84E0] =	vst v36  }
0x1e1: {  	[tilespmem:s23+$0x8080] =	vst v29;
	v29 =	vld.idx.msk [tilespmem:v61+s2+$0x0], $0xffff  }
0x1e2: {  	[tilespmem:s17+$0x8D00] =	vst v62;
	v23 =	vld [tilespmem:s19+$0xD70]  }
0x1e3: {  	[tilespmem:s24+$0x8080] =	vst v32;
	v8 =	vld.idx.msk [tilespmem:v25+s2+$0x0], $0xffff  }
0x1e4: {  	[tilespmem:s19+$0x8560] =	vst v33;
	v27 =	vld.idx.msk [tilespmem:v28+s2+$0x0], $0xffff  }
0x1e5: {  	s18 =	sshll.u32 s18, $0xB;
	[tilespmem:s16+$0x8D50] =	vst v63;
	v28 =	vld.idx.msk [tilespmem:v41+s2+$0x0], $0xffff  }
0x1e6: {  	s23 =	simm.s32 $0x6;
	s24 =	simm.s32 $0x400;
	s25 =	sadd.s32 $0x400, s20;
	v25 =	vld [tilespmem:s19+$0x890];
	[tilespmem:s19+$0x84F0] =	vst v29  }
.LBB2_3:
0x1e7: {  	s28 =	sand.u32 $0x7000, s25;
	s29 =	sand.u32 $0x300, s24;
	v29 =	vld.idx.msk [tilespmem:v31+s2+$0x0], $0xffff  }
0x1e8: {  	s28 =	sor.u32 s29, s28;
	v30 =	vld.idx.msk [tilespmem:v0+s2+$0x0], $0xffff;
	[tilespmem:s15+$0x8D70] =	vst v26;
	v0 =	vmov v5;
	v5 =	vmov v24;
	s15 =	smov.u32 s16;
	s16 =	smov.u32 s17  }
0x1e9: {  	s17 =	smov.u32 s19;
	v24 =	vld [tilespmem:s28+$0x80];
	[tilespmem:s26+$0x8080] =	vst v27;
	s26 =	sor.u32 $0xC50, s21;
	s19 =	smov.u32 s28  }
0x1ea: {  	[tilespmem:s17+$0x8570] =	vst v28;
	v26 =	vld [tilespmem:s26+$0x80]  }
0x1eb: {  	v27 =	vld [tilespmem:s19+$0x100];
	[tilespmem:s16+$0x8D10] =	vst v8  }
0x1ec: {  	v8 =	vld [tilespmem:s19+$0x110]  }
0x1ed: {  	s23 =	sadd.s32 $0x2, s23;
	[tilespmem:s17+$0x8880] =	vst v29;
	v28 =	vld [tilespmem:s17+$0x8A0]  }
0x1ee: {  	p1 =	slt.u32 s23, $0x1E;
	v25 =	vld.idx.msk [tilespmem:v25+s2+$0x0], $0xffff;
	[tilespmem:s15+$0x8D60] =	vst v30  }
0x1ef: {  	v29 =	vld [tilespmem:s19+$0x120]  }
0x1f0: {  	v30 =	vld [tilespmem:s19+$0x90]  }
0x1f1: {  	v24 =	vld.idx.msk [tilespmem:v24+s2+$0x0], $0xffff  }
0x1f2: {  	v26 =	vld.idx.msk [tilespmem:v26+s2+$0x0], $0xffff  }
0x1f3: {  	v27 =	vld.idx.msk [tilespmem:v27+s2+$0x0], $0xffff  }
0x1f4: {  	[tilespmem:s17+$0x8890] =	vst v25;
	v25 =	vld [tilespmem:s17+$0x8B0]  }
0x1f5: {  	v28 =	vld.idx.msk [tilespmem:v28+s2+$0x0], $0xffff  }
0x1f6: {  	v31 =	vld [tilespmem:s19+$0x130]  }
0x1f7: {  	[tilespmem:s19+$0x8080] =	vst v24;
	v24 =	vld [tilespmem:s19+$0xA0]  }
0x1f8: {  	v30 =	vld.idx.msk [tilespmem:v30+s2+$0x0], $0xffff;
	[tilespmem:s26+$0x8080] =	vst v26;
	s26 =	sor.u32 $0xC60, s21  }
0x1f9: {  	[tilespmem:s19+$0x8100] =	vst v27;
	v26 =	vld [tilespmem:s26+$0x80]  }
0x1fa: {  	v8 =	vld.idx.msk [tilespmem:v8+s2+$0x0], $0xffff  }
0x1fb: {  	[tilespmem:s17+$0x88A0] =	vst v28;
	v27 =	vld [tilespmem:s17+$0x8C0]  }
0x1fc: {  	v25 =	vld.idx.msk [tilespmem:v25+s2+$0x0], $0xffff  }
0x1fd: {  	v28 =	vld [tilespmem:s19+$0x140]  }
0x1fe: {  	v32 =	vld [tilespmem:s19+$0x150]  }
0x1ff: {  	[tilespmem:s19+$0x8090] =	vst v30;
	v30 =	vld [tilespmem:s19+$0xB0]  }
0x200: {  	v24 =	vld.idx.msk [tilespmem:v24+s2+$0x0], $0xffff;
	[tilespmem:s19+$0x8110] =	vst v8  }
0x201: {  	v8 =	vld.idx.msk [tilespmem:v26+s2+$0x0], $0xffff  }
0x202: {  	[tilespmem:s17+$0x88B0] =	vst v25;
	v25 =	vld [tilespmem:s17+$0x8D0]  }
0x203: {  	v26 =	vld.idx.msk [tilespmem:v27+s2+$0x0], $0xffff  }
0x204: {  	v27 =	vld.idx.msk [tilespmem:v29+s2+$0x0], $0xffff  }
0x205: {  	v29 =	vld [tilespmem:s19+$0x160]  }
0x206: {  	[tilespmem:s19+$0x80A0] =	vst v24;
	v24 =	vld [tilespmem:s19+$0xC0]  }
0x207: {  	s21 =	sor.u32 $0xC70, s21;
	v30 =	vld.idx.msk [tilespmem:v30+s2+$0x0], $0xffff;
	[tilespmem:s26+$0x8080] =	vst v8  }
0x208: {  	v8 =	vld [tilespmem:s21+$0x80]  }
0x209: {  	[tilespmem:s17+$0x88C0] =	vst v26;
	v26 =	vld [tilespmem:s17+$0x8E0]  }
0x20a: {  	[tilespmem:s19+$0x8120] =	vst v27;
	v25 =	vld.idx.msk [tilespmem:v25+s2+$0x0], $0xffff  }
0x20b: {  	v27 =	vld.idx.msk [tilespmem:v31+s2+$0x0], $0xffff  }
0x20c: {  	v31 =	vld [tilespmem:s19+$0x170]  }
0x20d: {  	v33 =	vld [tilespmem:s17+$0x8F0]  }
0x20e: {  	[tilespmem:s19+$0x80B0] =	vst v30;
	v30 =	vld [tilespmem:s19+$0xD0]  }
0x20f: {  	v24 =	vld.idx.msk [tilespmem:v24+s2+$0x0], $0xffff  }
0x210: {  	[tilespmem:s17+$0x88D0] =	vst v25;
	v8 =	vld.idx.msk [tilespmem:v8+s2+$0x0], $0xffff  }
0x211: {  	[tilespmem:s19+$0x8130] =	vst v27;
	v25 =	vld.idx.msk [tilespmem:v26+s2+$0x0], $0xffff  }
0x212: {  	v26 =	vld.idx.msk [tilespmem:v28+s2+$0x0], $0xffff  }
0x213: {  	v27 =	vld [tilespmem:s19+$0x500]  }
0x214: {  	v28 =	vld [tilespmem:s19+$0x510]  }
0x215: {  	[tilespmem:s19+$0x80C0] =	vst v24;
	v34 =	vld [tilespmem:s19+$0x520]  }
0x216: {  	v35 =	vld [tilespmem:s19+$0xE0];
	[tilespmem:s21+$0x8080] =	vst v8  }
0x217: {  	v8 =	vld.idx.msk [tilespmem:v30+s2+$0x0], $0xffff;
	[tilespmem:s17+$0x88E0] =	vst v25  }
0x218: {  	[tilespmem:s19+$0x8140] =	vst v26;
	v25 =	vld.idx.msk [tilespmem:v33+s2+$0x0], $0xffff  }
0x219: {  	v30 =	vld.idx.msk [tilespmem:v32+s2+$0x0], $0xffff  }
0x21a: {  	s22 =	sadd.s32 $0x1, s22;
	v32 =	vld [tilespmem:s19+$0x530]  }
0x21b: {  	s21 =	sand.u32 $0x3, s22;
	v26 =	vld [tilespmem:s19+$0x540]  }
0x21c: {  	s21 =	sshll.u32 s21, $0x8;
	v24 =	vld [tilespmem:s19+$0x550]  }
0x21d: {  	s21 =	sadd.s32 s21, s20;
	s20 =	smov.u32 s25;
	[tilespmem:s19+$0x80D0] =	vst v8;
	v33 =	vld [tilespmem:s19+$0xF0]  }
0x21e: {  	s26 =	sor.u32 $0xC00, s21;
	v35 =	vld.idx.msk [tilespmem:v35+s2+$0x0], $0xffff;
	[tilespmem:s17+$0x88F0] =	vst v25  }
0x21f: {  	[tilespmem:s19+$0x8150] =	vst v30;
	v30 =	vld [tilespmem:s26+$0x80]  }
0x220: {  	v29 =	vld.idx.msk [tilespmem:v29+s2+$0x0], $0xffff  }
0x221: {  	v25 =	vld [tilespmem:s19+$0x560]  }
0x222: {  	v8 =	vld [tilespmem:s19+$0x570]  }
0x223: {  	v36 =	vld [tilespmem:s19+$0x900]  }
0x224: {  	v37 =	vld.idx.msk [tilespmem:v17+s2+$0x0], $0xffff  }
0x225: {  	[tilespmem:s19+$0x80E0] =	vst v35;
	v35 =	vld [tilespmem:s19+$0x480]  }
0x226: {  	v33 =	vld.idx.msk [tilespmem:v33+s2+$0x0], $0xffff;
	[tilespmem:s19+$0x8160] =	vst v29  }
0x227: {  	v29 =	vld.idx.msk [tilespmem:v30+s2+$0x0], $0xffff  }
0x228: {  	v30 =	vld.idx.msk [tilespmem:v31+s2+$0x0], $0xffff;
	v17 =	vmov v36  }
0x229: {  	v31 =	vld [tilespmem:s19+$0x910]  }
0x22a: {  	v36 =	vld [tilespmem:s19+$0x920];
	[tilespmem:s17+$0x8900] =	vst v37  }
0x22b: {  	v37 =	vld.idx.msk [tilespmem:v22+s2+$0x0], $0xffff  }
0x22c: {  	[tilespmem:s19+$0x80F0] =	vst v33;
	v33 =	vld [tilespmem:s19+$0x490]  }
0x22d: {  	v35 =	vld.idx.msk [tilespmem:v35+s2+$0x0], $0xffff;
	[tilespmem:s26+$0x8080] =	vst v29;
	s26 =	sor.u32 $0xC10, s21  }
0x22e: {  	[tilespmem:s19+$0x8170] =	vst v30;
	v29 =	vld [tilespmem:s26+$0x80];
	v22 =	vmov v31  }
0x22f: {  	v27 =	vld.idx.msk [tilespmem:v27+s2+$0x0], $0xffff  }
0x230: {  	v30 =	vld [tilespmem:s19+$0x930]  }
0x231: {  	v31 =	vld [tilespmem:s19+$0x940];
	[tilespmem:s17+$0x8910] =	vst v37  }
0x232: {  	v37 =	vld.idx.msk [tilespmem:v9+s2+$0x0], $0xffff;
	v9 =	vmov v36  }
0x233: {  	v36 =	vld [tilespmem:s19+$0x950]  }
0x234: {  	[tilespmem:s19+$0x8480] =	vst v35;
	v35 =	vld [tilespmem:s19+$0x4A0]  }
0x235: {  	v33 =	vld.idx.msk [tilespmem:v33+s2+$0x0], $0xffff;
	[tilespmem:s19+$0x8500] =	vst v27  }
0x236: {  	v27 =	vld.idx.msk [tilespmem:v29+s2+$0x0], $0xffff  }
0x237: {  	v28 =	vld.idx.msk [tilespmem:v28+s2+$0x0], $0xffff  }
0x238: {  	v29 =	vld [tilespmem:s19+$0x960];
	[tilespmem:s17+$0x8920] =	vst v37  }
0x239: {  	v37 =	vld.idx.msk [tilespmem:v15+s2+$0x0], $0xffff;
	v15 =	vmov v30  }
0x23a: {  	v30 =	vld [tilespmem:s19+$0x970]  }
0x23b: {  	[tilespmem:s19+$0x8490] =	vst v33;
	v33 =	vld [tilespmem:s19+$0x4B0]  }
0x23c: {  	v35 =	vld.idx.msk [tilespmem:v35+s2+$0x0], $0xffff;
	[tilespmem:s26+$0x8080] =	vst v27;
	s26 =	sor.u32 $0xC20, s21  }
0x23d: {  	[tilespmem:s19+$0x8510] =	vst v28;
	v27 =	vld [tilespmem:s26+$0x80]  }
0x23e: {  	v28 =	vld.idx.msk [tilespmem:v34+s2+$0x0], $0xffff  }
0x23f: {  	v34 =	vld [tilespmem:s19+$0xD00];
	[tilespmem:s17+$0x8930] =	vst v37  }
0x240: {  	v37 =	vld.idx.msk [tilespmem:v11+s2+$0x0], $0xffff;
	v11 =	vmov v31  }
0x241: {  	v38 =	vld [tilespmem:s19+$0xD10]  }
0x242: {  	v31 =	vld [tilespmem:s19+$0xD20]  }
0x243: {  	[tilespmem:s19+$0x84A0] =	vst v35;
	v35 =	vld [tilespmem:s19+$0x4C0]  }
0x244: {  	v33 =	vld.idx.msk [tilespmem:v33+s2+$0x0], $0xffff;
	[tilespmem:s19+$0x8520] =	vst v28  }
0x245: {  	v27 =	vld.idx.msk [tilespmem:v27+s2+$0x0], $0xffff  }
0x246: {  	v28 =	vld.idx.msk [tilespmem:v32+s2+$0x0], $0xffff;
	[tilespmem:s17+$0x8940] =	vst v37  }
0x247: {  	v32 =	vld.idx.msk [tilespmem:v13+s2+$0x0], $0xffff;
	v13 =	vmov v36  }
0x248: {  	v36 =	vld.idx.msk [tilespmem:v2+s2+$0x0], $0xffff;
	v2 =	vmov v10;
	v10 =	vmov v31  }
0x249: {  	v31 =	vld [tilespmem:s19+$0xD30]  }
0x24a: {  	[tilespmem:s19+$0x84B0] =	vst v33;
	v33 =	vld [tilespmem:s19+$0x4D0]  }
0x24b: {  	v35 =	vld.idx.msk [tilespmem:v35+s2+$0x0], $0xffff;
	[tilespmem:s26+$0x8080] =	vst v27;
	s26 =	sor.u32 $0xC30, s21  }
0x24c: {  	[tilespmem:s19+$0x8530] =	vst v28;
	v27 =	vld [tilespmem:s26+$0x80]  }
0x24d: {  	v26 =	vld.idx.msk [tilespmem:v26+s2+$0x0], $0xffff;
	[tilespmem:s17+$0x8950] =	vst v32  }
0x24e: {  	v28 =	vld.idx.msk [tilespmem:v19+s2+$0x0], $0xffff;
	[tilespmem:s16+$0x8D20] =	vst v36;
	v19 =	vmov v29  }
0x24f: {  	v29 =	vld.idx.msk [tilespmem:v3+s2+$0x0], $0xffff;
	v3 =	vmov v12;
	v12 =	vmov v31  }
0x250: {  	v31 =	vld [tilespmem:s19+$0xD40]  }
0x251: {  	[tilespmem:s19+$0x84C0] =	vst v35;
	v32 =	vld [tilespmem:s19+$0x4E0]  }
0x252: {  	v33 =	vld.idx.msk [tilespmem:v33+s2+$0x0], $0xffff  }
0x253: {  	[tilespmem:s19+$0x8540] =	vst v26;
	v26 =	vld [tilespmem:s19+$0xD50]  }
0x254: {  	v27 =	vld.idx.msk [tilespmem:v27+s2+$0x0], $0xffff;
	[tilespmem:s17+$0x8960] =	vst v28  }
0x255: {  	v28 =	vld.idx.msk [tilespmem:v24+s2+$0x0], $0xffff;
	[tilespmem:s16+$0x8D30] =	vst v29  }
0x256: {  	v29 =	vld.idx.msk [tilespmem:v14+s2+$0x0], $0xffff;
	v14 =	vmov v30  }
0x257: {  	v30 =	vld.idx.msk [tilespmem:v6+s2+$0x0], $0xffff;
	v6 =	vmov v21;
	v21 =	vmov v31  }
0x258: {  	[tilespmem:s19+$0x84D0] =	vst v33;
	v33 =	vld [tilespmem:s19+$0x4F0]  }
0x259: {  	v31 =	vld.idx.msk [tilespmem:v32+s2+$0x0], $0xffff  }
0x25a: {  	v24 =	vld [tilespmem:s19+$0xD60];
	[tilespmem:s26+$0x8080] =	vst v27;
	s26 =	sor.u32 $0xC40, s21  }
0x25b: {  	[tilespmem:s19+$0x8550] =	vst v28;
	v27 =	vld [tilespmem:s26+$0x80]  }
0x25c: {  	v25 =	vld.idx.msk [tilespmem:v25+s2+$0x0], $0xffff;
	[tilespmem:s17+$0x8970] =	vst v29  }
0x25d: {  	v28 =	vld.idx.msk [tilespmem:v20+s2+$0x0], $0xffff;
	[tilespmem:s16+$0x8D40] =	vst v30;
	v20 =	vmov v34  }
0x25e: {  	v29 =	vld.idx.msk [tilespmem:v4+s2+$0x0], $0xffff;
	v4 =	vmov v18;
	v18 =	vmov v26  }
0x25f: {  	[tilespmem:s19+$0x84E0] =	vst v31;
	v31 =	vld [tilespmem:s19+$0x880]  }
0x260: {  	v30 =	vld.idx.msk [tilespmem:v33+s2+$0x0], $0xffff  }
0x261: {  	v32 =	vld [tilespmem:s19+$0xD70]  }
.Ltmp0:
0x262: {  	[tilespmem:s19+$0x8560] =	vst v25;
	v26 =	vld.idx.msk [tilespmem:v1+s2+$0x0], $0xffff;
	v1 =	vmov v7;
	v7 =	vmov v23;
	(pc) =	sbr.rel @p1 .LBB2_3-.Ltmp0, $4  }
0x263: {  	v27 =	vld.idx.msk [tilespmem:v27+s2+$0x0], $0xffff;
	[tilespmem:s17+$0x8D00] =	vst v28  }
0x264: {  	v28 =	vld.idx.msk [tilespmem:v8+s2+$0x0], $0xffff;
	[tilespmem:s16+$0x8D50] =	vst v29  }
0x265: {  	v8 =	vld.idx.msk [tilespmem:v16+s2+$0x0], $0xffff;
	v16 =	vmov v38  }
0x266: {  	s24 =	sadd.s32 $0x100, s24;
	s25 =	sadd.s32 $0x400, s25;
	[tilespmem:s19+$0x84F0] =	vst v30;
	v25 =	vld [tilespmem:s19+$0x890];
	v23 =	vmov v32  }
0x267: {  	_ =	sdelay $0x3  }
0x268: {  	v29 =	vld.idx.msk [tilespmem:v31+s2+$0x0], $0xffff;
	_ =	sdelay $0x3  }
0x269: {  	v44 =	vld [tilespmem:s19+$0x8A0]  }
0x26a: {  	[tilespmem:s19+$0x8880] =	vst v29  }
0x26b: {  	v25 =	vld.idx.msk [tilespmem:v25+s2+$0x0], $0xffff;
	_ =	sdelay $0x3  }
0x26c: {  	v45 =	vld [tilespmem:s19+$0x8B0]  }
0x26d: {  	[tilespmem:s19+$0x8890] =	vst v25  }
0x26e: {  	v29 =	vld.idx.msk [tilespmem:v44+s2+$0x0], $0xffff;
	_ =	sdelay $0x3  }
0x26f: {  	v46 =	vld [tilespmem:s19+$0x8C0]  }
0x270: {  	[tilespmem:s19+$0x88A0] =	vst v29  }
0x271: {  	v25 =	vld.idx.msk [tilespmem:v45+s2+$0x0], $0xffff;
	_ =	sdelay $0x3  }
0x272: {  	v47 =	vld [tilespmem:s19+$0x8D0]  }
0x273: {  	[tilespmem:s19+$0x88B0] =	vst v25  }
0x274: {  	v29 =	vld.idx.msk [tilespmem:v46+s2+$0x0], $0xffff;
	_ =	sdelay $0x3  }
0x275: {  	v48 =	vld [tilespmem:s19+$0x8E0]  }
0x276: {  	[tilespmem:s19+$0x88C0] =	vst v29  }
0x277: {  	v25 =	vld.idx.msk [tilespmem:v47+s2+$0x0], $0xffff;
	_ =	sdelay $0x3  }
0x278: {  	v30 =	vld [tilespmem:s19+$0x8F0]  }
0x279: {  	[tilespmem:s19+$0x88D0] =	vst v25  }
0x27a: {  	v25 =	vld.idx.msk [tilespmem:v48+s2+$0x0], $0xffff;
	_ =	sdelay $0x4  }
0x27b: {  	[tilespmem:s19+$0x88E0] =	vst v25  }
0x27c: {  	v25 =	vld.idx.msk [tilespmem:v30+s2+$0x0], $0xffff  }
0x27d: {  	s22 =	sadd.s32 $0x1, s22  }
0x27e: {  	s22 =	sand.u32 $0x3, s22  }
0x27f: {  	s22 =	sshll.u32 s22, $0x8  }
0x280: {  	s20 =	sadd.s32 s22, s20  }
0x281: {  	s22 =	sor.u32 $0xC00, s20;
	[tilespmem:s19+$0x88F0] =	vst v25  }
0x282: {  	v25 =	vld [tilespmem:s22+$0x80];
	_ =	sdelay $0x5  }
0x283: {  	[tilespmem:s19+$0x8570] =	vst v28  }
0x284: {  	v17 =	vld.idx.msk [tilespmem:v17+s2+$0x0], $0xffff  }
0x285: {  	v25 =	vld.idx.msk [tilespmem:v25+s2+$0x0], $0xffff;
	_ =	sdelay $0x3  }
0x286: {  	[tilespmem:s19+$0x8900] =	vst v17  }
0x287: {  	s31 =	sor.u32 $0xC10, s20;
	v17 =	vld.idx.msk [tilespmem:v22+s2+$0x0], $0xffff;
	[tilespmem:s22+$0x8080] =	vst v25  }
0x288: {  	v25 =	vld [tilespmem:s31+$0x80];
	_ =	sdelay $0x3  }
0x289: {  	[tilespmem:s19+$0x8910] =	vst v17  }
0x28a: {  	v9 =	vld.idx.msk [tilespmem:v9+s2+$0x0], $0xffff;
	_ =	sdelay $0x2  }
0x28b: {  	v25 =	vld.idx.msk [tilespmem:v25+s2+$0x0], $0xffff;
	_ =	sdelay $0x1  }
0x28c: {  	[tilespmem:s19+$0x8920] =	vst v9  }
0x28d: {  	v15 =	vld.idx.msk [tilespmem:v15+s2+$0x0], $0xffff;
	_ =	sdelay $0x1  }
0x28e: {  	s23 =	sor.u32 $0xC20, s20;
	[tilespmem:s31+$0x8080] =	vst v25  }
0x28f: {  	v49 =	vld [tilespmem:s23+$0x80];
	_ =	sdelay $0x1  }
0x290: {  	[tilespmem:s19+$0x8930] =	vst v15  }
0x291: {  	v11 =	vld.idx.msk [tilespmem:v11+s2+$0x0], $0xffff;
	_ =	sdelay $0x4  }
0x292: {  	[tilespmem:s19+$0x8940] =	vst v11;
	v50 =	vld.idx.msk [tilespmem:v49+s2+$0x0], $0xffff  }
0x293: {  	v11 =	vld.idx.msk [tilespmem:v13+s2+$0x0], $0xffff;
	_ =	sdelay $0x3  }
0x294: {  	s24 =	sor.u32 $0xC30, s20;
	[tilespmem:s23+$0x8080] =	vst v50  }
0x295: {  	[tilespmem:s19+$0x8950] =	vst v11;
	v9 =	vld [tilespmem:s24+$0x80]  }
0x296: {  	v11 =	vld.idx.msk [tilespmem:v19+s2+$0x0], $0xffff;
	_ =	sdelay $0x4  }
0x297: {  	[tilespmem:s19+$0x8960] =	vst v11  }
0x298: {  	v11 =	vld.idx.msk [tilespmem:v14+s2+$0x0], $0xffff  }
0x299: {  	v9 =	vld.idx.msk [tilespmem:v9+s2+$0x0], $0xffff;
	_ =	sdelay $0x3  }
0x29a: {  	[tilespmem:s19+$0x8970] =	vst v11  }
0x29b: {  	s25 =	sor.u32 $0xC40, s20;
	v11 =	vld.idx.msk [tilespmem:v20+s2+$0x0], $0xffff;
	[tilespmem:s24+$0x8080] =	vst v9  }
0x29c: {  	v9 =	vld [tilespmem:s25+$0x80];
	_ =	sdelay $0x4  }
0x29d: {  	[tilespmem:s19+$0x8D00] =	vst v11  }
0x29e: {  	v11 =	vld.idx.msk [tilespmem:v16+s2+$0x0], $0xffff;
	_ =	sdelay $0x1  }
0x29f: {  	v9 =	vld.idx.msk [tilespmem:v9+s2+$0x0], $0xffff;
	_ =	sdelay $0x1  }
0x2a0: {  	[tilespmem:s17+$0x8D10] =	vst v8  }
0x2a1: {  	v2 =	vld.idx.msk [tilespmem:v2+s2+$0x0], $0xffff;
	[tilespmem:s19+$0x8D10] =	vst v11  }
0x2a2: {  	[tilespmem:s26+$0x8080] =	vst v27;
	v53 =	vld.idx.msk [tilespmem:v10+s2+$0x0], $0xffff;
	s23 =	sor.u32 $0xC50, s21  }
0x2a3: {  	s26 =	sor.u32 $0xC50, s20;
	v51 =	vld [tilespmem:s23+$0x80];
	[tilespmem:s25+$0x8080] =	vst v9  }
0x2a4: {  	v9 =	vld [tilespmem:s26+$0x80];
	_ =	sdelay $0x3  }
0x2a5: {  	[tilespmem:s17+$0x8D20] =	vst v2  }
0x2a6: {  	v2 =	vld.idx.msk [tilespmem:v3+s2+$0x0], $0xffff;
	[tilespmem:s19+$0x8D20] =	vst v53  }
0x2a7: {  	v56 =	vld.idx.msk [tilespmem:v12+s2+$0x0], $0xffff  }
0x2a8: {  	v13 =	vld.idx.msk [tilespmem:v51+s2+$0x0], $0xffff  }
0x2a9: {  	v52 =	vld.idx.msk [tilespmem:v9+s2+$0x0], $0xffff;
	_ =	sdelay $0x1  }
0x2aa: {  	[tilespmem:s17+$0x8D30] =	vst v2  }
0x2ab: {  	v2 =	vld.idx.msk [tilespmem:v6+s2+$0x0], $0xffff;
	[tilespmem:s19+$0x8D30] =	vst v56  }
0x2ac: {  	s28 =	sor.u32 $0xC60, s21;
	v58 =	vld.idx.msk [tilespmem:v21+s2+$0x0], $0xffff;
	[tilespmem:s23+$0x8080] =	vst v13  }
0x2ad: {  	s29 =	sor.u32 $0xC60, s20;
	v54 =	vld [tilespmem:s28+$0x80];
	[tilespmem:s26+$0x8080] =	vst v52  }
0x2ae: {  	v55 =	vld [tilespmem:s29+$0x80];
	_ =	sdelay $0x3  }
0x2af: {  	[tilespmem:s17+$0x8D40] =	vst v2  }
0x2b0: {  	v2 =	vld.idx.msk [tilespmem:v4+s2+$0x0], $0xffff;
	[tilespmem:s19+$0x8D40] =	vst v58  }
0x2b1: {  	v60 =	vld.idx.msk [tilespmem:v18+s2+$0x0], $0xffff  }
0x2b2: {  	v57 =	vld.idx.msk [tilespmem:v54+s2+$0x0], $0xffff  }
0x2b3: {  	v3 =	vld.idx.msk [tilespmem:v55+s2+$0x0], $0xffff;
	_ =	sdelay $0x1  }
0x2b4: {  	v0 =	vld.idx.msk [tilespmem:v0+s2+$0x0], $0xffff;
	[tilespmem:s17+$0x8D50] =	vst v2  }
0x2b5: {  	v2 =	vld.idx.msk [tilespmem:v5+s2+$0x0], $0xffff;
	[tilespmem:s19+$0x8D50] =	vst v60  }
0x2b6: {  	s30 =	sor.u32 $0xC70, s21;
	v4 =	vld.idx.msk [tilespmem:v24+s2+$0x0], $0xffff;
	[tilespmem:s28+$0x8080] =	vst v57  }
0x2b7: {  	s20 =	sor.u32 $0xC70, s20;
	v59 =	vld [tilespmem:s30+$0x80];
	[tilespmem:s29+$0x8080] =	vst v3  }
0x2b8: {  	v3 =	vld [tilespmem:s20+$0x80];
	_ =	sdelay $0x2  }
0x2b9: {  	[tilespmem:s16+$0x8D60] =	vst v0  }
0x2ba: {  	v1 =	vld.idx.msk [tilespmem:v1+s2+$0x0], $0xffff;
	[tilespmem:s17+$0x8D60] =	vst v2  }
0x2bb: {  	v63 =	vld.idx.msk [tilespmem:v7+s2+$0x0], $0xffff;
	[tilespmem:s19+$0x8D60] =	vst v4  }
0x2bc: {  	v4 =	vld.idx.msk [tilespmem:v23+s2+$0x0], $0xffff  }
0x2bd: {  	v61 =	vld.idx.msk [tilespmem:v59+s2+$0x0], $0xffff  }
0x2be: {  	[tilespmem:s15+$0x8D70] =	vst v26;
	v62 =	vld.idx.msk [tilespmem:v3+s2+$0x0], $0xffff  }
0x2bf: {  	p1 =	sne.s32 s12, $0x8;
	[tilespmem:s16+$0x8D70] =	vst v1  }
.Ltmp1:
0x2c0: {  	[tilespmem:s17+$0x8D70] =	vst v63;
	(pc) =	sbr.rel @p1 .LBB2_2-.Ltmp1, $4  }
0x2c1: {  	[tilespmem:s19+$0x8D70] =	vst v4  }
0x2c2: {  	s13 =	sshll.u32 s13, $0xE;
	p0 =	por !p0, !p0;
	[tilespmem:s30+$0x8080] =	vst v61  }
0x2c3: {  	s13 =	sor.u32 $0x8080, s13;
	s31 =	sadd.s32 s18, s5;
	s18 =	smov.u32 s12;
	[tilespmem:s20+$0x8080] =	vst v62  }
0x2c4: {  	[hbm4b:s31+s2] =	stream.linear.scatter [tilespmem:s13], [sflag:s14], $0x4000, $0x38;
	[tilespmem:$0x10080] =	vst v63  }
0x2c5: {  	s11 =	sadd.s32 $0x1, s11  }
0x2c6: {  	_ =	swait.ge [sflag:s9], $0x4000;
	p0 =	sne.s32 s11, s6  }
.Ltmp2:
0x2c7: {  	[sflag:s9] =	ssyncset.done $0x0;
	(pc) =	sbr.rel @p0 .LBB2_1-.Ltmp2, $4  }
0x2c8: {  	[sflag:s9] =	ssyncadd.s32 $0xFFFFC000  }
0x2c9: {  	_ =	swait.ge [sflag:s10], $0x4000  }
0x2ca: {  	[sflag:s10] =	ssyncset.done $0x0  }
0x2cb: {  	[sflag:s10] =	ssyncadd.s32 $0xFFFFC000  }
0x2cc: {  	_ =	sfence.sel $0x180000  }
0x2cd: {  	[bflag:$0x0] =	sbarrier.arrive $0xFFFF  }
0x2ce: {  	p0 =	sne.s32 s0, $0x0;
	_ =	strace $0x90000047  }
0x2cf: {  	s0 =	sadd.s32 @!p0 $0x100000, s1;
	[bflag:$0x2] =	sbarrier.arrive $0xFFFF  }
0x2d0: {  	[sflag:s0] =	ssyncadd.tile.s32 @!p0 $0x1;
	_ =	shalt  }
.Lfunc_end2:
_tile_overlayer_lowered:
.L_overlay_start_2:
0x2d1: {  	(tag) =	ssettag $0x2  }
0x2d2: {  	s0 =	rddreg [dreg:$0x0];
	s2 =	stileid.u32  }
0x2d3: {  	s1 =	rddreg [dreg:$0x1];
	p0 =	sne.s32 s2, $0x0  }
0x2d4: {  	s3 =	rddreg [dreg:$0x2];
	[bflag:$0x3] =	sbarrier.arrive $0xFFFF;
	s2 =	simm.s32 @!p0 $0x1C05  }
0x2d5: {  	[timem:s3], [sflag:s2] =	dma.local @!p0 [hbm:s0], s1  }
0x2d6: {  	s0 =	simm.s32 @!p0 $0x5  }
0x2d7: {  	_ =	swait.ge @!p0 [sflag:s0], s1  }
0x2d8: {  	s1 =	ssub.s32 @!p0 $0x0, s1;
	[sflag:s0] =	ssyncset.done @!p0 $0x0  }
0x2d9: {  	[sflag:s0] =	ssyncadd.s32 @!p0 s1  }
0x2da: {  	[bflag:$0x3] =	sbarrier.arrive $0xFFFF  }
0x2db: {  	_ =	shalt  }

</sc_bundles>
